<compile_context>
chip_gen: v7x
topology: tpu7x:2x2x1
jax: 0.10.2.dev20260603
libtpu: 0.0.44.dev20260713+nightly
codegen_flags: <defaults>
</compile_context>

<pallas_src>
import functools

import jax
import jax.numpy as jnp
from jax import lax
from jax.experimental import pallas as pl
from jax.experimental.pallas import tpu as pltpu
from jax.experimental.pallas import tpu_sc as plsc

NBOX = 5000
NPAD = 5008
NOUT = 20
NB = NPAD // 16
CPAD = NPAD + 16
NEG = -3.0e38
SCORE_T = 0.05
IOU_T = 0.3
IMG_H = 600.0
IMG_W = 800.0



def _prep_body(rois_ref, loc_ref, sc_ref, out_ref):
    y1r = rois_ref[0:1, :]
    x1r = rois_ref[1:2, :]
    y2r = rois_ref[2:3, :]
    x2r = rois_ref[3:4, :]
    src_h = y2r - y1r
    src_w = x2r - x1r
    src_cy = y1r + 0.5 * src_h
    src_cx = x1r + 0.5 * src_w
    dy = loc_ref[0, 0:1, :] * 0.1 + 0.0
    dx = loc_ref[0, 1:2, :] * 0.1 + 0.0
    dh = loc_ref[0, 2:3, :] * 0.2 + 0.0
    dw = loc_ref[0, 3:4, :] * 0.2 + 0.2
    cy = dy * src_h + src_cy
    cx = dx * src_w + src_cx
    hh = jnp.exp(dh) * src_h
    ww = jnp.exp(dw) * src_w
    yy1 = jnp.clip(cy - 0.5 * hh, 0.0, IMG_H)
    xx1 = jnp.clip(cx - 0.5 * ww, 0.0, IMG_W)
    yy2 = jnp.clip(cy + 0.5 * hh, 0.0, IMG_H)
    xx2 = jnp.clip(cx + 0.5 * ww, 0.0, IMG_W)
    sc = sc_ref[...]
    m = jnp.max(sc, axis=0, keepdims=True)
    e = jnp.exp(sc - m)
    denom = jnp.sum(e, axis=0, keepdims=True)
    probs = e / denom
    g = pl.program_id(0)
    onehot = (lax.broadcasted_iota(jnp.int32, (24, 1), 0) == (g + 1)).astype(
        jnp.float32)
    prob_l = jnp.sum(probs * onehot, axis=0, keepdims=True)
    lanes = lax.broadcasted_iota(jnp.int32, (1, NPAD), 1)
    s_m = jnp.where((prob_l > SCORE_T) & (lanes < NBOX), prob_l, NEG)
    z = jnp.zeros((3, NPAD), jnp.float32)
    out_ref[0] = jnp.concatenate([s_m, yy1, xx1, yy2, xx2, z], axis=0)


def _prep(rois_t, loc_t, sc_t):
    return pl.pallas_call(
        _prep_body,
        grid=(NOUT,),
        in_specs=[
            pl.BlockSpec((8, NPAD), lambda g: (0, 0)),
            pl.BlockSpec((1, 4, NPAD), lambda g: (g + 1, 0, 0)),
            pl.BlockSpec((24, NPAD), lambda g: (0, 0)),
        ],
        out_specs=pl.BlockSpec((1, 8, NPAD), lambda g: (g, 0, 0)),
        out_shape=jax.ShapeDtypeStruct((NOUT, 8, NPAD), jnp.float32),
    )(rois_t, loc_t, sc_t)



def _sc_nms(packed):
    mesh = plsc.VectorSubcoreMesh(
        core_axis_name="c", subcore_axis_name="s", num_cores=2,
        num_subcores=16)

    @functools.partial(
        pl.kernel,
        mesh=mesh,
        out_type=jax.ShapeDtypeStruct((NOUT * 5 * NPAD,), jnp.float32),
        compiler_params=pltpu.CompilerParams(needs_layout_passes=False),
        scratch_types=[pltpu.VMEM((CPAD,), jnp.float32)] * 5
        + [pltpu.VMEM((CPAD,), jnp.float32)] * 6
        + [pltpu.VMEM((CPAD,), jnp.int32)] * 2,
    )
    def k(in_hbm, out_hbm, s_v, y1_v, x1_v, y2_v, x2_v,
          cs, cy1, cx1, cy2, cx2, car, cidx, ci2):
        wid = lax.axis_index("s") * 2 + lax.axis_index("c")

        @pl.when(wid < NOUT)
        def _():
            c = wid
            ibase = c * 8 * NPAD
            pltpu.sync_copy(in_hbm.at[pl.ds(ibase + 0 * NPAD, NPAD)],
                            s_v.at[pl.ds(0, NPAD)])
            pltpu.sync_copy(in_hbm.at[pl.ds(ibase + 1 * NPAD, NPAD)],
                            y1_v.at[pl.ds(0, NPAD)])
            pltpu.sync_copy(in_hbm.at[pl.ds(ibase + 2 * NPAD, NPAD)],
                            x1_v.at[pl.ds(0, NPAD)])
            pltpu.sync_copy(in_hbm.at[pl.ds(ibase + 3 * NPAD, NPAD)],
                            y2_v.at[pl.ds(0, NPAD)])
            pltpu.sync_copy(in_hbm.at[pl.ds(ibase + 4 * NPAD, NPAD)],
                            x2_v.at[pl.ds(0, NPAD)])

            zero16 = jnp.zeros((16,), jnp.float32)
            negs16 = jnp.full((16,), NEG, jnp.float32)
            lane = lax.iota(jnp.int32, 16)
            mask0 = lane == 0
            lane0z = jnp.zeros((16,), jnp.int32)

            @plsc.parallel_loop(0, NB, 1, unroll=2, carry=jnp.int32(0))
            def moff(i, off):
                sl = pl.ds(i * 16, 16)
                sv = s_v[sl]
                msk = sv > 0.0
                a = y1_v[sl]
                b = x1_v[sl]
                cc = y2_v[sl]
                dd = x2_v[sl]
                ar = jnp.maximum(cc - a, 0.0) * jnp.maximum(dd - b, 0.0)
                pos = plsc.cumsum(msk.astype(jnp.int32))
                dst = off + pos - 1
                plsc.store_scatter(cs, [dst], sv, mask=msk)
                plsc.store_scatter(cy1, [dst], a, mask=msk)
                plsc.store_scatter(cx1, [dst], b, mask=msk)
                plsc.store_scatter(cy2, [dst], cc, mask=msk)
                plsc.store_scatter(cx2, [dst], dd, mask=msk)
                plsc.store_scatter(car, [dst], ar, mask=msk)
                plsc.store_scatter(cidx, [dst], i * 16 + lane, mask=msk)
                return off + pos[15]

            cs[pl.ds(moff, 16)] = negs16
            cidx[pl.ds(moff, 16)] = lane0z + NPAD
            nbc = (moff + 15) // 16

            @plsc.parallel_loop(0, NB + 1, 1, unroll=4)
            def _zero(i):
                sl = pl.ds(i * 16, 16)
                ci2[sl] = i * 16 + lane
                s_v[sl] = zero16
                y1_v[sl] = zero16
                x1_v[sl] = zero16
                y2_v[sl] = zero16
                x2_v[sl] = zero16

            ROUND = 24

            def round_body(r, mc):
                nbc = (mc + 15) // 16

                @plsc.parallel_loop(
                    0, nbc, 1, unroll=4,
                    carry=(negs16, jnp.zeros((16,), jnp.int32)))
                def am_out(i, carv):
                    rm, ri = carv
                    sv = cs[pl.ds(i * 16, 16)]
                    upd = sv > rm
                    return (jnp.where(upd, sv, rm),
                            jnp.where(upd, i * 16 + lane, ri))

                rm0, ri0 = am_out
                g0 = jnp.max(rm0)
                i0 = jnp.min(jnp.where(rm0 == g0, ri0, jnp.int32(1 << 30)))
                i0 = jnp.where(g0 > 0.0, i0, jnp.int32(1 << 30))

                def obody(t, carv):
                    gm, gi = carv
                    alive = gm > 0.0
                    gic = jnp.minimum(gi, mc)
                    sel = pl.ds(gic, 16)

                    def spl(ref):
                        return ref[sel].at[lane0z].get(
                            mode="promise_in_bounds")

                    svalv = spl(cs)
                    by1v = spl(cy1)
                    bx1v = spl(cx1)
                    by2v = spl(cy2)
                    bx2v = spl(cx2)
                    bareav = spl(car)
                    oidxv = cidx[sel]
                    plsc.store_scatter(s_v, [oidxv], svalv, mask=mask0)
                    plsc.store_scatter(y1_v, [oidxv], by1v, mask=mask0)
                    plsc.store_scatter(x1_v, [oidxv], bx1v, mask=mask0)
                    plsc.store_scatter(y2_v, [oidxv], by2v, mask=mask0)
                    plsc.store_scatter(x2_v, [oidxv], bx2v, mask=mask0)
                    plsc.store_scatter(cs, [ci2[sel]], negs16, mask=mask0)
                    nbi = jnp.where(alive, nbc, 0)

                    @plsc.parallel_loop(
                        0, nbi, 1, unroll=4,
                        carry=(negs16, jnp.zeros((16,), jnp.int32)))
                    def sup_out(i, carv2):
                        rm, ri = carv2
                        sl = pl.ds(i * 16, 16)
                        sv = cs[sl]
                        tly = jnp.maximum(by1v, cy1[sl])
                        tlx = jnp.maximum(bx1v, cx1[sl])
                        bry = jnp.minimum(by2v, cy2[sl])
                        brx = jnp.minimum(bx2v, cx2[sl])
                        hh = jnp.maximum(bry - tly, 0.0)
                        ww = jnp.maximum(brx - tlx, 0.0)
                        inter = hh * ww
                        iou = inter / (bareav + car[sl] - inter + 1e-8)
                        snew = jnp.where(iou > IOU_T, NEG, sv)
                        cs[sl] = snew
                        upd = snew > rm
                        return (jnp.where(upd, snew, rm),
                                jnp.where(upd, i * 16 + lane, ri))

                    rm, ri = sup_out
                    gm2 = jnp.max(rm)
                    gi2 = jnp.min(jnp.where(rm == gm2, ri, jnp.int32(1 << 30)))
                    gi2 = jnp.where(gm2 > 0.0, gi2, jnp.int32(1 << 30))
                    gm2 = jnp.where(alive, gm2, gm)
                    gi2 = jnp.where(alive, gi2, gi)
                    return gm2, gi2

                lax.fori_loop(0, ROUND, obody, (g0, i0))

                def rbody(i, off):
                    sl = pl.ds(i * 16, 16)
                    sv = cs[sl]
                    msk = sv > 0.0
                    a = cy1[sl]
                    b = cx1[sl]
                    cc = cy2[sl]
                    dd = cx2[sl]
                    ar = car[sl]
                    ix = cidx[sl]
                    pos = plsc.cumsum(msk.astype(jnp.int32))
                    dst = off + pos - 1
                    plsc.store_scatter(cs, [dst], sv, mask=msk)
                    plsc.store_scatter(cy1, [dst], a, mask=msk)
                    plsc.store_scatter(cx1, [dst], b, mask=msk)
                    plsc.store_scatter(cy2, [dst], cc, mask=msk)
                    plsc.store_scatter(cx2, [dst], dd, mask=msk)
                    plsc.store_scatter(car, [dst], ar, mask=msk)
                    plsc.store_scatter(cidx, [dst], ix, mask=msk)
                    return off + pos[15]

                mc2 = lax.fori_loop(0, nbc, rbody, jnp.int32(0))
                cs[pl.ds(mc2, 16)] = negs16
                cidx[pl.ds(mc2, 16)] = lane0z + NPAD
                return mc2

            nrounds = (moff + ROUND - 1) // ROUND
            lax.fori_loop(0, nrounds, round_body, moff)

            obase = c * 5 * NPAD
            pltpu.sync_copy(y1_v.at[pl.ds(0, NPAD)],
                            out_hbm.at[pl.ds(obase + 0 * NPAD, NPAD)])
            pltpu.sync_copy(x1_v.at[pl.ds(0, NPAD)],
                            out_hbm.at[pl.ds(obase + 1 * NPAD, NPAD)])
            pltpu.sync_copy(y2_v.at[pl.ds(0, NPAD)],
                            out_hbm.at[pl.ds(obase + 2 * NPAD, NPAD)])
            pltpu.sync_copy(x2_v.at[pl.ds(0, NPAD)],
                            out_hbm.at[pl.ds(obase + 3 * NPAD, NPAD)])
            pltpu.sync_copy(s_v.at[pl.ds(0, NPAD)],
                            out_hbm.at[pl.ds(obase + 4 * NPAD, NPAD)])

    return k(packed)



def kernel(rois, roi_cls_loc, roi_scores):
    rois_t = jnp.zeros((8, NPAD), jnp.float32).at[:4, :NBOX].set(
        rois.astype(jnp.float32).T)
    loc_t = jnp.zeros((21, 4, NPAD), jnp.float32).at[:, :, :NBOX].set(
        roi_cls_loc.astype(jnp.float32).T.reshape(21, 4, NBOX))
    sc_t = jnp.full((24, NPAD), -1e30, jnp.float32).at[:21, :NBOX].set(
        roi_scores.astype(jnp.float32).T)
    packed = _prep(rois_t, loc_t, sc_t)
    out5 = _sc_nms(packed.reshape(-1)).reshape(NOUT, 5, NPAD)
    return out5.transpose(0, 2, 1)[:, :NBOX, :]

# --- scband reference (transcript-rebuilt; emitter-appended) ---
"""Pipeline reference for scband-faster-rcnn-24524263260284 (READ-ONLY COPY).

The authoritative reference and input builder live on the scoring server;
editing this copy changes nothing except your own understanding.
"""

import jax, jax.numpy as jnp
import numpy as np

N = 5000
N_CLASS = 21
NMS_THRESH = 0.3
SCORE_THRESH = 0.05
LOC_NORM_MEAN = (0.0, 0.0, 0.0, 0.2)
LOC_NORM_STD = (0.1, 0.1, 0.2, 0.2)
IMG_SIZE = (600.0, 800.0)


def setup_inputs(seed: int = 0):
    key = jax.random.key(seed)
    k1, k2, k3, k4, k5, k6 = jax.random.split(key, 6)
    y1 = jax.random.uniform(k1, (N,)) * 500.0
    x1 = jax.random.uniform(k2, (N,)) * 700.0
    h = jax.random.uniform(k3, (N,)) * 100.0 + 8.0
    w = jax.random.uniform(k4, (N,)) * 100.0 + 8.0
    rois = jnp.stack([y1, x1, y1 + h, x1 + w], axis=1).astype(jnp.float32)
    roi_cls_loc = jax.random.normal(k5, (N, N_CLASS * 4), dtype=jnp.float32)
    roi_scores = jax.random.normal(k6, (N, N_CLASS), dtype=jnp.float32) * 2.0
    return {"rois": rois, "roi_cls_loc": roi_cls_loc, "roi_scores": roi_scores}


def _nms_keep(boxes, scores, thresh):
    n = boxes.shape[0]
    order = jnp.argsort(-scores)
    b = boxes[order]
    area = jnp.maximum(b[:, 2] - b[:, 0], 0.0) * jnp.maximum(b[:, 3] - b[:, 1], 0.0)
    tl = jnp.maximum(b[:, None, :2], b[None, :, :2])
    br = jnp.minimum(b[:, None, 2:], b[None, :, 2:])
    wh = jnp.clip(br - tl, 0.0, None)
    inter = wh[..., 0] * wh[..., 1]
    iou = inter / (area[:, None] + area[None, :] - inter + 1e-8)
    idx = jnp.arange(n)

    def body(i, keep):
        sup = (iou[i] > thresh) & keep[i] & (idx > i)
        return keep & (~sup)

    keep_sorted = jax.lax.fori_loop(0, n, body, jnp.ones((n,), dtype=bool))
    return jnp.zeros((n,), dtype=bool).at[order].set(keep_sorted)


_nms_keep_j = jax.jit(_nms_keep)


def reference(rois, roi_cls_loc, roi_scores):
    n = rois.shape[0]
    mean = jnp.tile(jnp.array(LOC_NORM_MEAN, jnp.float32), N_CLASS)
    std = jnp.tile(jnp.array(LOC_NORM_STD, jnp.float32), N_CLASS)
    loc = (roi_cls_loc * std[None, :] + mean[None, :]).reshape(n, N_CLASS, 4)
    src_h = rois[:, 2] - rois[:, 0]
    src_w = rois[:, 3] - rois[:, 1]
    src_cy = rois[:, 0] + 0.5 * src_h
    src_cx = rois[:, 1] + 0.5 * src_w
    dy, dx, dh, dw = loc[..., 0], loc[..., 1], loc[..., 2], loc[..., 3]
    cy = dy * src_h[:, None] + src_cy[:, None]
    cx = dx * src_w[:, None] + src_cx[:, None]
    hh = jnp.exp(dh) * src_h[:, None]
    ww = jnp.exp(dw) * src_w[:, None]
    yy1 = jnp.clip(cy - 0.5 * hh, 0.0, IMG_SIZE[0])
    xx1 = jnp.clip(cx - 0.5 * ww, 0.0, IMG_SIZE[1])
    yy2 = jnp.clip(cy + 0.5 * hh, 0.0, IMG_SIZE[0])
    xx2 = jnp.clip(cx + 0.5 * ww, 0.0, IMG_SIZE[1])
    cls_bbox = jnp.stack([yy1, xx1, yy2, xx2], axis=-1)
    prob = jax.nn.softmax(roi_scores, axis=1)
    outs = []
    for l in range(1, N_CLASS):
        bbox_l = cls_bbox[:, l, :]
        prob_l = prob[:, l]
        mask = prob_l > SCORE_THRESH
        s = jnp.where(mask, jax.lax.stop_gradient(prob_l), -jnp.inf)
        keep = _nms_keep_j(jax.lax.stop_gradient(bbox_l), s, NMS_THRESH) & mask
        kf = keep.astype(jnp.float32)
        outs.append(jnp.concatenate([bbox_l * kf[:, None], (prob_l * kf)[:, None]], axis=1))
    return jnp.stack(outs, axis=0)

if __name__ == "__main__":
    import jax
    _d = setup_inputs()
    print(jax.jit(kernel)(*tuple(_d.values())))

</pallas_src>

<mosaic_0001>
#map = affine_map<(d0, d1) -> (0)>
module attributes {stable_mosaic.version = 14 : i64} {
  func.func @k(%arg0: i32, %arg1: i32, %arg2: memref<801280xf32, #tpu.memory_space<hbm>>, %arg3: memref<500800xf32, #tpu.memory_space<hbm>>, %arg4: memref<5024xf32, #tpu.memory_space<vmem>>, %arg5: memref<5024xf32, #tpu.memory_space<vmem>>, %arg6: memref<5024xf32, #tpu.memory_space<vmem>>, %arg7: memref<5024xf32, #tpu.memory_space<vmem>>, %arg8: memref<5024xf32, #tpu.memory_space<vmem>>, %arg9: memref<5024xf32, #tpu.memory_space<vmem>>, %arg10: memref<5024xf32, #tpu.memory_space<vmem>>, %arg11: memref<5024xf32, #tpu.memory_space<vmem>>, %arg12: memref<5024xf32, #tpu.memory_space<vmem>>, %arg13: memref<5024xf32, #tpu.memory_space<vmem>>, %arg14: memref<5024xf32, #tpu.memory_space<vmem>>, %arg15: memref<5024xi32, #tpu.memory_space<vmem>>, %arg16: memref<5024xi32, #tpu.memory_space<vmem>>) attributes {dimension_semantics = [#tpu.dimension_semantics<core_parallel>, #tpu.dimension_semantics<subcore_parallel>], iteration_bounds = array<i64: 2, 16>, scalar_prefetch = 0 : i64, scratch_operands = 13 : i64, tpu.core_type = #tpu.core_type<sc_vector_subcore>, window_params = [{transform_indices = #map}, {transform_indices = #map}]} {
    %mul3A = arith.constant 2 : i32
    %mul3A_0 = arith.muli %arg1, %mul3A : i32
    %add3A = arith.addi %mul3A_0, %arg0 : i32
    %lt3A = arith.constant 20 : i32
    %lt3A_1 = arith.cmpi slt, %add3A, %lt3A : i32
    %convert_element_type3A = arith.extui %lt3A_1 : i1 to i32
    %cond3A = arith.constant 0 : i32
    %cond3A_2 = arith.cmpi ne, %convert_element_type3A, %cond3A : i32
    scf.if %cond3A_2 {
      %mul3A_3 = arith.constant 8 : i32
      %mul3A_4 = arith.muli %add3A, %mul3A_3 : i32
      %mul3A_5 = arith.constant 5008 : i32
      %mul3A_6 = arith.muli %mul3A_4, %mul3A_5 : i32
      %add3A_7 = arith.constant 0 : i32
      %add3A_8 = arith.addi %mul3A_6, %add3A_7 : i32
      "tpu.region"() ({
        %run_scoped3A = tpu.sem_alloc : memref<!tpu.dma_semaphore, #tpu.memory_space<semaphore_mem>>
        %dma_start3A = arith.constant 0 : i32
        %dma_start3A_107 = tpu.memref_slice %arg4[%dma_start3A] : memref<5024xf32, #tpu.memory_space<vmem>> -> memref<5008xf32, #tpu.memory_space<vmem>>
        %dma_start3A_108 = tpu.memref_slice %arg2[%add3A_8] : memref<801280xf32, #tpu.memory_space<hbm>> -> memref<5008xf32, #tpu.memory_space<hbm>>
        %dma_start3A_109 = arith.constant 0 : i32
        %dma_start3A_110 = tpu.memref_slice %arg4[%dma_start3A_109] : memref<5024xf32, #tpu.memory_space<vmem>> -> memref<5008xf32, #tpu.memory_space<vmem>>
        %dma_start3A_111 = tpu.memref_slice %arg2[%add3A_8] : memref<801280xf32, #tpu.memory_space<hbm>> -> memref<5008xf32, #tpu.memory_space<hbm>>
        tpu.enqueue_dma source(%dma_start3A_111 : memref<5008xf32, #tpu.memory_space<hbm>>) target(%dma_start3A_110 : memref<5008xf32, #tpu.memory_space<vmem>>) target_semaphore(%run_scoped3A : memref<!tpu.dma_semaphore, #tpu.memory_space<semaphore_mem>>)
        %dma_wait3A = arith.constant 0 : i32
        %dma_wait3A_112 = tpu.memref_slice %arg4[%dma_wait3A] : memref<5024xf32, #tpu.memory_space<vmem>> -> memref<5008xf32, #tpu.memory_space<vmem>>
        %dma_wait3A_113 = tpu.memref_slice %arg2[%add3A_8] : memref<801280xf32, #tpu.memory_space<hbm>> -> memref<5008xf32, #tpu.memory_space<hbm>>
        %dma_wait3A_114 = arith.constant 0 : i32
        %dma_wait3A_115 = tpu.memref_slice %arg4[%dma_wait3A_114] : memref<5024xf32, #tpu.memory_space<vmem>> -> memref<5008xf32, #tpu.memory_space<vmem>>
        %dma_wait3A_116 = tpu.memref_slice %arg2[%add3A_8] : memref<801280xf32, #tpu.memory_space<hbm>> -> memref<5008xf32, #tpu.memory_space<hbm>>
        tpu.wait_dma2 semaphore(%run_scoped3A : memref<!tpu.dma_semaphore, #tpu.memory_space<semaphore_mem>>) src(%dma_wait3A_116 : memref<5008xf32, #tpu.memory_space<hbm>>) dst(%dma_wait3A_115 : memref<5008xf32, #tpu.memory_space<vmem>>)
        tpu.yield
      }) : () -> ()
      %add3A_9 = arith.constant 5008 : i32
      %add3A_10 = arith.addi %mul3A_6, %add3A_9 : i32
      "tpu.region"() ({
        %run_scoped3A = tpu.sem_alloc : memref<!tpu.dma_semaphore, #tpu.memory_space<semaphore_mem>>
        %dma_start3A = arith.constant 0 : i32
        %dma_start3A_107 = tpu.memref_slice %arg5[%dma_start3A] : memref<5024xf32, #tpu.memory_space<vmem>> -> memref<5008xf32, #tpu.memory_space<vmem>>
        %dma_start3A_108 = tpu.memref_slice %arg2[%add3A_10] : memref<801280xf32, #tpu.memory_space<hbm>> -> memref<5008xf32, #tpu.memory_space<hbm>>
        %dma_start3A_109 = arith.constant 0 : i32
        %dma_start3A_110 = tpu.memref_slice %arg5[%dma_start3A_109] : memref<5024xf32, #tpu.memory_space<vmem>> -> memref<5008xf32, #tpu.memory_space<vmem>>
        %dma_start3A_111 = tpu.memref_slice %arg2[%add3A_10] : memref<801280xf32, #tpu.memory_space<hbm>> -> memref<5008xf32, #tpu.memory_space<hbm>>
        tpu.enqueue_dma source(%dma_start3A_111 : memref<5008xf32, #tpu.memory_space<hbm>>) target(%dma_start3A_110 : memref<5008xf32, #tpu.memory_space<vmem>>) target_semaphore(%run_scoped3A : memref<!tpu.dma_semaphore, #tpu.memory_space<semaphore_mem>>)
        %dma_wait3A = arith.constant 0 : i32
        %dma_wait3A_112 = tpu.memref_slice %arg5[%dma_wait3A] : memref<5024xf32, #tpu.memory_space<vmem>> -> memref<5008xf32, #tpu.memory_space<vmem>>
        %dma_wait3A_113 = tpu.memref_slice %arg2[%add3A_10] : memref<801280xf32, #tpu.memory_space<hbm>> -> memref<5008xf32, #tpu.memory_space<hbm>>
        %dma_wait3A_114 = arith.constant 0 : i32
        %dma_wait3A_115 = tpu.memref_slice %arg5[%dma_wait3A_114] : memref<5024xf32, #tpu.memory_space<vmem>> -> memref<5008xf32, #tpu.memory_space<vmem>>
        %dma_wait3A_116 = tpu.memref_slice %arg2[%add3A_10] : memref<801280xf32, #tpu.memory_space<hbm>> -> memref<5008xf32, #tpu.memory_space<hbm>>
        tpu.wait_dma2 semaphore(%run_scoped3A : memref<!tpu.dma_semaphore, #tpu.memory_space<semaphore_mem>>) src(%dma_wait3A_116 : memref<5008xf32, #tpu.memory_space<hbm>>) dst(%dma_wait3A_115 : memref<5008xf32, #tpu.memory_space<vmem>>)
        tpu.yield
      }) : () -> ()
      %add3A_11 = arith.constant 10016 : i32
      %add3A_12 = arith.addi %mul3A_6, %add3A_11 : i32
      "tpu.region"() ({
        %run_scoped3A = tpu.sem_alloc : memref<!tpu.dma_semaphore, #tpu.memory_space<semaphore_mem>>
        %dma_start3A = arith.constant 0 : i32
        %dma_start3A_107 = tpu.memref_slice %arg6[%dma_start3A] : memref<5024xf32, #tpu.memory_space<vmem>> -> memref<5008xf32, #tpu.memory_space<vmem>>
        %dma_start3A_108 = tpu.memref_slice %arg2[%add3A_12] : memref<801280xf32, #tpu.memory_space<hbm>> -> memref<5008xf32, #tpu.memory_space<hbm>>
        %dma_start3A_109 = arith.constant 0 : i32
        %dma_start3A_110 = tpu.memref_slice %arg6[%dma_start3A_109] : memref<5024xf32, #tpu.memory_space<vmem>> -> memref<5008xf32, #tpu.memory_space<vmem>>
        %dma_start3A_111 = tpu.memref_slice %arg2[%add3A_12] : memref<801280xf32, #tpu.memory_space<hbm>> -> memref<5008xf32, #tpu.memory_space<hbm>>
        tpu.enqueue_dma source(%dma_start3A_111 : memref<5008xf32, #tpu.memory_space<hbm>>) target(%dma_start3A_110 : memref<5008xf32, #tpu.memory_space<vmem>>) target_semaphore(%run_scoped3A : memref<!tpu.dma_semaphore, #tpu.memory_space<semaphore_mem>>)
        %dma_wait3A = arith.constant 0 : i32
        %dma_wait3A_112 = tpu.memref_slice %arg6[%dma_wait3A] : memref<5024xf32, #tpu.memory_space<vmem>> -> memref<5008xf32, #tpu.memory_space<vmem>>
        %dma_wait3A_113 = tpu.memref_slice %arg2[%add3A_12] : memref<801280xf32, #tpu.memory_space<hbm>> -> memref<5008xf32, #tpu.memory_space<hbm>>
        %dma_wait3A_114 = arith.constant 0 : i32
        %dma_wait3A_115 = tpu.memref_slice %arg6[%dma_wait3A_114] : memref<5024xf32, #tpu.memory_space<vmem>> -> memref<5008xf32, #tpu.memory_space<vmem>>
        %dma_wait3A_116 = tpu.memref_slice %arg2[%add3A_12] : memref<801280xf32, #tpu.memory_space<hbm>> -> memref<5008xf32, #tpu.memory_space<hbm>>
        tpu.wait_dma2 semaphore(%run_scoped3A : memref<!tpu.dma_semaphore, #tpu.memory_space<semaphore_mem>>) src(%dma_wait3A_116 : memref<5008xf32, #tpu.memory_space<hbm>>) dst(%dma_wait3A_115 : memref<5008xf32, #tpu.memory_space<vmem>>)
        tpu.yield
      }) : () -> ()
      %add3A_13 = arith.constant 15024 : i32
      %add3A_14 = arith.addi %mul3A_6, %add3A_13 : i32
      "tpu.region"() ({
        %run_scoped3A = tpu.sem_alloc : memref<!tpu.dma_semaphore, #tpu.memory_space<semaphore_mem>>
        %dma_start3A = arith.constant 0 : i32
        %dma_start3A_107 = tpu.memref_slice %arg7[%dma_start3A] : memref<5024xf32, #tpu.memory_space<vmem>> -> memref<5008xf32, #tpu.memory_space<vmem>>
        %dma_start3A_108 = tpu.memref_slice %arg2[%add3A_14] : memref<801280xf32, #tpu.memory_space<hbm>> -> memref<5008xf32, #tpu.memory_space<hbm>>
        %dma_start3A_109 = arith.constant 0 : i32
        %dma_start3A_110 = tpu.memref_slice %arg7[%dma_start3A_109] : memref<5024xf32, #tpu.memory_space<vmem>> -> memref<5008xf32, #tpu.memory_space<vmem>>
        %dma_start3A_111 = tpu.memref_slice %arg2[%add3A_14] : memref<801280xf32, #tpu.memory_space<hbm>> -> memref<5008xf32, #tpu.memory_space<hbm>>
        tpu.enqueue_dma source(%dma_start3A_111 : memref<5008xf32, #tpu.memory_space<hbm>>) target(%dma_start3A_110 : memref<5008xf32, #tpu.memory_space<vmem>>) target_semaphore(%run_scoped3A : memref<!tpu.dma_semaphore, #tpu.memory_space<semaphore_mem>>)
        %dma_wait3A = arith.constant 0 : i32
        %dma_wait3A_112 = tpu.memref_slice %arg7[%dma_wait3A] : memref<5024xf32, #tpu.memory_space<vmem>> -> memref<5008xf32, #tpu.memory_space<vmem>>
        %dma_wait3A_113 = tpu.memref_slice %arg2[%add3A_14] : memref<801280xf32, #tpu.memory_space<hbm>> -> memref<5008xf32, #tpu.memory_space<hbm>>
        %dma_wait3A_114 = arith.constant 0 : i32
        %dma_wait3A_115 = tpu.memref_slice %arg7[%dma_wait3A_114] : memref<5024xf32, #tpu.memory_space<vmem>> -> memref<5008xf32, #tpu.memory_space<vmem>>
        %dma_wait3A_116 = tpu.memref_slice %arg2[%add3A_14] : memref<801280xf32, #tpu.memory_space<hbm>> -> memref<5008xf32, #tpu.memory_space<hbm>>
        tpu.wait_dma2 semaphore(%run_scoped3A : memref<!tpu.dma_semaphore, #tpu.memory_space<semaphore_mem>>) src(%dma_wait3A_116 : memref<5008xf32, #tpu.memory_space<hbm>>) dst(%dma_wait3A_115 : memref<5008xf32, #tpu.memory_space<vmem>>)
        tpu.yield
      }) : () -> ()
      %add3A_15 = arith.constant 20032 : i32
      %add3A_16 = arith.addi %mul3A_6, %add3A_15 : i32
      "tpu.region"() ({
        %run_scoped3A = tpu.sem_alloc : memref<!tpu.dma_semaphore, #tpu.memory_space<semaphore_mem>>
        %dma_start3A = arith.constant 0 : i32
        %dma_start3A_107 = tpu.memref_slice %arg8[%dma_start3A] : memref<5024xf32, #tpu.memory_space<vmem>> -> memref<5008xf32, #tpu.memory_space<vmem>>
        %dma_start3A_108 = tpu.memref_slice %arg2[%add3A_16] : memref<801280xf32, #tpu.memory_space<hbm>> -> memref<5008xf32, #tpu.memory_space<hbm>>
        %dma_start3A_109 = arith.constant 0 : i32
        %dma_start3A_110 = tpu.memref_slice %arg8[%dma_start3A_109] : memref<5024xf32, #tpu.memory_space<vmem>> -> memref<5008xf32, #tpu.memory_space<vmem>>
        %dma_start3A_111 = tpu.memref_slice %arg2[%add3A_16] : memref<801280xf32, #tpu.memory_space<hbm>> -> memref<5008xf32, #tpu.memory_space<hbm>>
        tpu.enqueue_dma source(%dma_start3A_111 : memref<5008xf32, #tpu.memory_space<hbm>>) target(%dma_start3A_110 : memref<5008xf32, #tpu.memory_space<vmem>>) target_semaphore(%run_scoped3A : memref<!tpu.dma_semaphore, #tpu.memory_space<semaphore_mem>>)
        %dma_wait3A = arith.constant 0 : i32
        %dma_wait3A_112 = tpu.memref_slice %arg8[%dma_wait3A] : memref<5024xf32, #tpu.memory_space<vmem>> -> memref<5008xf32, #tpu.memory_space<vmem>>
        %dma_wait3A_113 = tpu.memref_slice %arg2[%add3A_16] : memref<801280xf32, #tpu.memory_space<hbm>> -> memref<5008xf32, #tpu.memory_space<hbm>>
        %dma_wait3A_114 = arith.constant 0 : i32
        %dma_wait3A_115 = tpu.memref_slice %arg8[%dma_wait3A_114] : memref<5024xf32, #tpu.memory_space<vmem>> -> memref<5008xf32, #tpu.memory_space<vmem>>
        %dma_wait3A_116 = tpu.memref_slice %arg2[%add3A_16] : memref<801280xf32, #tpu.memory_space<hbm>> -> memref<5008xf32, #tpu.memory_space<hbm>>
        tpu.wait_dma2 semaphore(%run_scoped3A : memref<!tpu.dma_semaphore, #tpu.memory_space<semaphore_mem>>) src(%dma_wait3A_116 : memref<5008xf32, #tpu.memory_space<hbm>>) dst(%dma_wait3A_115 : memref<5008xf32, #tpu.memory_space<vmem>>)
        tpu.yield
      }) : () -> ()
      %broadcast_in_dim3A = arith.constant 0.000000e+00 : f32
      %broadcast_in_dim3A_17 = vector.broadcast %broadcast_in_dim3A : f32 to vector<16xf32>
      %broadcast_in_dim3A_18 = arith.constant -3.000000e+38 : f32
      %broadcast_in_dim3A_19 = vector.broadcast %broadcast_in_dim3A_18 : f32 to vector<16xf32>
      %iota3A = tpu.iota {dimensions = array<i32: 0>} : vector<16xi32>
      %eq3A = arith.constant 0 : i32
      %eq3A_20 = vector.broadcast %eq3A : i32 to vector<16xi32>
      %eq3A_21 = arith.cmpi eq, %iota3A, %eq3A_20 : vector<16xi32>
      %broadcast_in_dim3A_22 = arith.constant 0 : i32
      %broadcast_in_dim3A_23 = vector.broadcast %broadcast_in_dim3A_22 : i32 to vector<16xi32>
      %parallel_loop3A = arith.constant 0 : i32
      %parallel_loop3A_24 = arith.constant 313 : i32
      %parallel_loop3A_25 = arith.constant 1 : i32
      %parallel_loop3A_26 = arith.constant 0 : i32
      %parallel_loop3A_27 = scf.for %parallel_loop3A_107 = %parallel_loop3A to %parallel_loop3A_24 step %parallel_loop3A_25 iter_args(%parallel_loop3A_108 = %parallel_loop3A_26) -> (i32)  : i32 {
        %parallel_loop3A_109 = arith.constant 16 : i32
        %parallel_loop3A_110 = arith.muli %parallel_loop3A_107, %parallel_loop3A_109 : i32
        %parallel_loop3A_111 = arith.index_cast %parallel_loop3A_110 : i32 to index
        %parallel_loop3A_112 = tpu.vector_load %arg4[%parallel_loop3A_111] {strides = array<i32>} : memref<5024xf32, #tpu.memory_space<vmem>>, vector<16xf32>,
        %parallel_loop3A_113 = arith.constant 0.000000e+00 : f32
        %parallel_loop3A_114 = vector.broadcast %parallel_loop3A_113 : f32 to vector<16xf32>
        %parallel_loop3A_115 = arith.cmpf ogt, %parallel_loop3A_112, %parallel_loop3A_114 : vector<16xf32>
        %parallel_loop3A_116 = arith.index_cast %parallel_loop3A_110 : i32 to index
        %parallel_loop3A_117 = tpu.vector_load %arg5[%parallel_loop3A_116] {strides = array<i32>} : memref<5024xf32, #tpu.memory_space<vmem>>, vector<16xf32>,
        %parallel_loop3A_118 = arith.index_cast %parallel_loop3A_110 : i32 to index
        %parallel_loop3A_119 = tpu.vector_load %arg6[%parallel_loop3A_118] {strides = array<i32>} : memref<5024xf32, #tpu.memory_space<vmem>>, vector<16xf32>,
        %parallel_loop3A_120 = arith.index_cast %parallel_loop3A_110 : i32 to index
        %parallel_loop3A_121 = tpu.vector_load %arg7[%parallel_loop3A_120] {strides = array<i32>} : memref<5024xf32, #tpu.memory_space<vmem>>, vector<16xf32>,
        %parallel_loop3A_122 = arith.index_cast %parallel_loop3A_110 : i32 to index
        %parallel_loop3A_123 = tpu.vector_load %arg8[%parallel_loop3A_122] {strides = array<i32>} : memref<5024xf32, #tpu.memory_space<vmem>>, vector<16xf32>,
        %parallel_loop3A_124 = arith.subf %parallel_loop3A_121, %parallel_loop3A_117 : vector<16xf32>
        %parallel_loop3A_125 = arith.constant 0.000000e+00 : f32
        %parallel_loop3A_126 = vector.broadcast %parallel_loop3A_125 : f32 to vector<16xf32>
        %parallel_loop3A_127 = arith.maximumf %parallel_loop3A_124, %parallel_loop3A_126 : vector<16xf32>
        %parallel_loop3A_128 = arith.subf %parallel_loop3A_123, %parallel_loop3A_119 : vector<16xf32>
        %parallel_loop3A_129 = arith.constant 0.000000e+00 : f32
        %parallel_loop3A_130 = vector.broadcast %parallel_loop3A_129 : f32 to vector<16xf32>
        %parallel_loop3A_131 = arith.maximumf %parallel_loop3A_128, %parallel_loop3A_130 : vector<16xf32>
        %parallel_loop3A_132 = arith.mulf %parallel_loop3A_127, %parallel_loop3A_131 : vector<16xf32>
        %parallel_loop3A_133 = arith.extui %parallel_loop3A_115 : vector<16xi1> to vector<16xi32>
        %parallel_loop3A_134 = arith.constant true
        %parallel_loop3A_135 = vector.broadcast %parallel_loop3A_134 : i1 to vector<16xi1>
        %parallel_loop3A_136 = tpu.scan <sum>, %parallel_loop3A_133 masked %parallel_loop3A_135 : vector<16xi32>, vector<16xi1> -> vector<16xi32>
        %parallel_loop3A_137 = vector.broadcast %parallel_loop3A_108 : i32 to vector<16xi32>
        %parallel_loop3A_138 = arith.addi %parallel_loop3A_137, %parallel_loop3A_136 : vector<16xi32>
        %parallel_loop3A_139 = arith.constant 1 : i32
        %parallel_loop3A_140 = vector.broadcast %parallel_loop3A_139 : i32 to vector<16xi32>
        %parallel_loop3A_141 = arith.subi %parallel_loop3A_138, %parallel_loop3A_140 : vector<16xi32>
        tpu.vector_store_idx %arg9[%parallel_loop3A_141], %parallel_loop3A_112 masked %parallel_loop3A_115 : memref<5024xf32, #tpu.memory_space<vmem>>[vector<16xi32>], vector<16xf32>, vector<16xi1>
        tpu.vector_store_idx %arg10[%parallel_loop3A_141], %parallel_loop3A_117 masked %parallel_loop3A_115 : memref<5024xf32, #tpu.memory_space<vmem>>[vector<16xi32>], vector<16xf32>, vector<16xi1>
        tpu.vector_store_idx %arg11[%parallel_loop3A_141], %parallel_loop3A_119 masked %parallel_loop3A_115 : memref<5024xf32, #tpu.memory_space<vmem>>[vector<16xi32>], vector<16xf32>, vector<16xi1>
        tpu.vector_store_idx %arg12[%parallel_loop3A_141], %parallel_loop3A_121 masked %parallel_loop3A_115 : memref<5024xf32, #tpu.memory_space<vmem>>[vector<16xi32>], vector<16xf32>, vector<16xi1>
        tpu.vector_store_idx %arg13[%parallel_loop3A_141], %parallel_loop3A_123 masked %parallel_loop3A_115 : memref<5024xf32, #tpu.memory_space<vmem>>[vector<16xi32>], vector<16xf32>, vector<16xi1>
        tpu.vector_store_idx %arg14[%parallel_loop3A_141], %parallel_loop3A_132 masked %parallel_loop3A_115 : memref<5024xf32, #tpu.memory_space<vmem>>[vector<16xi32>], vector<16xf32>, vector<16xi1>
        %parallel_loop3A_142 = arith.constant 16 : i32
        %parallel_loop3A_143 = arith.muli %parallel_loop3A_107, %parallel_loop3A_142 : i32
        %parallel_loop3A_144 = vector.broadcast %parallel_loop3A_143 : i32 to vector<16xi32>
        %parallel_loop3A_145 = arith.addi %parallel_loop3A_144, %iota3A : vector<16xi32>
        tpu.vector_store_idx %arg15[%parallel_loop3A_141], %parallel_loop3A_145 masked %parallel_loop3A_115 : memref<5024xi32, #tpu.memory_space<vmem>>[vector<16xi32>], vector<16xi32>, vector<16xi1>
        %parallel_loop3A_146 = vector.extract_strided_slice %parallel_loop3A_136 {offsets = [15], sizes = [1], strides = [1]} : vector<16xi32> to vector<1xi32>
        %parallel_loop3A_147 = vector.extract %parallel_loop3A_146[0] : i32 from vector<1xi32>
        %parallel_loop3A_148 = arith.addi %parallel_loop3A_108, %parallel_loop3A_147 : i32
        scf.yield %parallel_loop3A_148 : i32
      } {sc.loop_unroll_factor = 2 : i64, sc.parallel_access}
      %swap3A = arith.index_cast %parallel_loop3A_27 : i32 to index
      %swap3A_28 = tpu.vector_load %arg9[%swap3A] {strides = array<i32>} : memref<5024xf32, #tpu.memory_space<vmem>>, vector<16xf32>,
      tpu.vector_store %arg9[%swap3A], %broadcast_in_dim3A_19 {strides = array<i32>} : memref<5024xf32, #tpu.memory_space<vmem>>, vector<16xf32>,
      %add3A_29 = arith.constant 5008 : i32
      %add3A_30 = vector.broadcast %add3A_29 : i32 to vector<16xi32>
      %add3A_31 = arith.addi %broadcast_in_dim3A_23, %add3A_30 : vector<16xi32>
      %swap3A_32 = arith.index_cast %parallel_loop3A_27 : i32 to index
      %swap3A_33 = tpu.vector_load %arg15[%swap3A_32] {strides = array<i32>} : memref<5024xi32, #tpu.memory_space<vmem>>, vector<16xi32>,
      tpu.vector_store %arg15[%swap3A_32], %add3A_31 {strides = array<i32>} : memref<5024xi32, #tpu.memory_space<vmem>>, vector<16xi32>,
      %add3A_34 = arith.constant 15 : i32
      %add3A_35 = arith.addi %parallel_loop3A_27, %add3A_34 : i32
      %jit3A = arith.constant 16 : i32
      %div3A = arith.divsi %add3A_35, %jit3A : i32
      %sign3A = arith.constant 0 : i32
      %sign3A_36 = arith.cmpi sgt, %add3A_35, %sign3A : i32
      %sign3A_37 = arith.extui %sign3A_36 : i1 to i32
      %sign3A_38 = arith.constant 0 : i32
      %sign3A_39 = arith.cmpi slt, %add3A_35, %sign3A_38 : i32
      %sign3A_40 = arith.extui %sign3A_39 : i1 to i32
      %sign3A_41 = arith.subi %sign3A_37, %sign3A_40 : i32
      %sign3A_42 = arith.constant 0 : i32
      %sign3A_43 = arith.cmpi sgt, %jit3A, %sign3A_42 : i32
      %sign3A_44 = arith.extui %sign3A_43 : i1 to i32
      %sign3A_45 = arith.constant 0 : i32
      %sign3A_46 = arith.cmpi slt, %jit3A, %sign3A_45 : i32
      %sign3A_47 = arith.extui %sign3A_46 : i1 to i32
      %sign3A_48 = arith.subi %sign3A_44, %sign3A_47 : i32
      %ne3A = arith.cmpi ne, %sign3A_41, %sign3A_48 : i32
      %rem3A = arith.remsi %add3A_35, %jit3A : i32
      %ne3A_49 = arith.constant 0 : i32
      %ne3A_50 = arith.cmpi ne, %rem3A, %ne3A_49 : i32
      %and3A = arith.andi %ne3A, %ne3A_50 : i1
      %sub3A = arith.constant 1 : i32
      %sub3A_51 = arith.subi %div3A, %sub3A : i32
      %select_n3A = arith.select %and3A, %sub3A_51, %div3A : i32
      %parallel_loop3A_52 = arith.constant 0 : i32
      %parallel_loop3A_53 = arith.constant 314 : i32
      %parallel_loop3A_54 = arith.constant 1 : i32
      scf.for %parallel_loop3A_107 = %parallel_loop3A_52 to %parallel_loop3A_53 step %parallel_loop3A_54  : i32 {
        %parallel_loop3A_108 = arith.constant 16 : i32
        %parallel_loop3A_109 = arith.muli %parallel_loop3A_107, %parallel_loop3A_108 : i32
        %parallel_loop3A_110 = arith.constant 16 : i32
        %parallel_loop3A_111 = arith.muli %parallel_loop3A_107, %parallel_loop3A_110 : i32
        %parallel_loop3A_112 = vector.broadcast %parallel_loop3A_111 : i32 to vector<16xi32>
        %parallel_loop3A_113 = arith.addi %parallel_loop3A_112, %iota3A : vector<16xi32>
        %parallel_loop3A_114 = arith.index_cast %parallel_loop3A_109 : i32 to index
        %parallel_loop3A_115 = tpu.vector_load %arg16[%parallel_loop3A_114] {strides = array<i32>} : memref<5024xi32, #tpu.memory_space<vmem>>, vector<16xi32>,
        tpu.vector_store %arg16[%parallel_loop3A_114], %parallel_loop3A_113 {strides = array<i32>} : memref<5024xi32, #tpu.memory_space<vmem>>, vector<16xi32>,
        %parallel_loop3A_116 = arith.index_cast %parallel_loop3A_109 : i32 to index
        %parallel_loop3A_117 = tpu.vector_load %arg4[%parallel_loop3A_116] {strides = array<i32>} : memref<5024xf32, #tpu.memory_space<vmem>>, vector<16xf32>,
        tpu.vector_store %arg4[%parallel_loop3A_116], %broadcast_in_dim3A_17 {strides = array<i32>} : memref<5024xf32, #tpu.memory_space<vmem>>, vector<16xf32>,
        %parallel_loop3A_118 = arith.index_cast %parallel_loop3A_109 : i32 to index
        %parallel_loop3A_119 = tpu.vector_load %arg5[%parallel_loop3A_118] {strides = array<i32>} : memref<5024xf32, #tpu.memory_space<vmem>>, vector<16xf32>,
        tpu.vector_store %arg5[%parallel_loop3A_118], %broadcast_in_dim3A_17 {strides = array<i32>} : memref<5024xf32, #tpu.memory_space<vmem>>, vector<16xf32>,
        %parallel_loop3A_120 = arith.index_cast %parallel_loop3A_109 : i32 to index
        %parallel_loop3A_121 = tpu.vector_load %arg6[%parallel_loop3A_120] {strides = array<i32>} : memref<5024xf32, #tpu.memory_space<vmem>>, vector<16xf32>,
        tpu.vector_store %arg6[%parallel_loop3A_120], %broadcast_in_dim3A_17 {strides = array<i32>} : memref<5024xf32, #tpu.memory_space<vmem>>, vector<16xf32>,
        %parallel_loop3A_122 = arith.index_cast %parallel_loop3A_109 : i32 to index
        %parallel_loop3A_123 = tpu.vector_load %arg7[%parallel_loop3A_122] {strides = array<i32>} : memref<5024xf32, #tpu.memory_space<vmem>>, vector<16xf32>,
        tpu.vector_store %arg7[%parallel_loop3A_122], %broadcast_in_dim3A_17 {strides = array<i32>} : memref<5024xf32, #tpu.memory_space<vmem>>, vector<16xf32>,
        %parallel_loop3A_124 = arith.index_cast %parallel_loop3A_109 : i32 to index
        %parallel_loop3A_125 = tpu.vector_load %arg8[%parallel_loop3A_124] {strides = array<i32>} : memref<5024xf32, #tpu.memory_space<vmem>>, vector<16xf32>,
        tpu.vector_store %arg8[%parallel_loop3A_124], %broadcast_in_dim3A_17 {strides = array<i32>} : memref<5024xf32, #tpu.memory_space<vmem>>, vector<16xf32>,
      } {sc.loop_unroll_factor = 4 : i64, sc.parallel_access}
      %add3A_55 = arith.constant 24 : i32
      %add3A_56 = arith.addi %parallel_loop3A_27, %add3A_55 : i32
      %sub3A_57 = arith.constant 1 : i32
      %sub3A_58 = arith.subi %add3A_56, %sub3A_57 : i32
      %jit3A_59 = arith.constant 24 : i32
      %div3A_60 = arith.divsi %sub3A_58, %jit3A_59 : i32
      %sign3A_61 = arith.constant 0 : i32
      %sign3A_62 = arith.cmpi sgt, %sub3A_58, %sign3A_61 : i32
      %sign3A_63 = arith.extui %sign3A_62 : i1 to i32
      %sign3A_64 = arith.constant 0 : i32
      %sign3A_65 = arith.cmpi slt, %sub3A_58, %sign3A_64 : i32
      %sign3A_66 = arith.extui %sign3A_65 : i1 to i32
      %sign3A_67 = arith.subi %sign3A_63, %sign3A_66 : i32
      %sign3A_68 = arith.constant 0 : i32
      %sign3A_69 = arith.cmpi sgt, %jit3A_59, %sign3A_68 : i32
      %sign3A_70 = arith.extui %sign3A_69 : i1 to i32
      %sign3A_71 = arith.constant 0 : i32
      %sign3A_72 = arith.cmpi slt, %jit3A_59, %sign3A_71 : i32
      %sign3A_73 = arith.extui %sign3A_72 : i1 to i32
      %sign3A_74 = arith.subi %sign3A_70, %sign3A_73 : i32
      %ne3A_75 = arith.cmpi ne, %sign3A_67, %sign3A_74 : i32
      %rem3A_76 = arith.remsi %sub3A_58, %jit3A_59 : i32
      %ne3A_77 = arith.constant 0 : i32
      %ne3A_78 = arith.cmpi ne, %rem3A_76, %ne3A_77 : i32
      %and3A_79 = arith.andi %ne3A_75, %ne3A_78 : i1
      %sub3A_80 = arith.constant 1 : i32
      %sub3A_81 = arith.subi %div3A_60, %sub3A_80 : i32
      %select_n3A_82 = arith.select %and3A_79, %sub3A_81, %div3A_60 : i32
      %while3A = arith.constant 0 : i32
      %while3A_83 = arith.subi %select_n3A_82, %while3A : i32
      %while3A_84 = arith.addi %while3A, %while3A_83 : i32
      %while3A_85 = arith.constant 1 : i32
      %while3A_86 = arith.divsi %while3A_83, %while3A_85 : i32
      %while3A_87 = arith.muli %while3A_86, %while3A_85 : i32
      %while3A_88 = arith.addi %while3A, %while3A_87 : i32
      %while3A_89 = arith.constant 1 : i32
      %while3A_90 = scf.for %while3A_107 = %while3A to %while3A_88 step %while3A_89 iter_args(%while3A_108 = %parallel_loop3A_27) -> (i32)  : i32 {
        %add3A_109 = arith.constant 15 : i32
        %add3A_110 = arith.addi %while3A_108, %add3A_109 : i32
        %jit3A_111 = arith.constant 16 : i32
        %div3A_112 = arith.divsi %add3A_110, %jit3A_111 : i32
        %sign3A_113 = arith.constant 0 : i32
        %sign3A_114 = arith.cmpi sgt, %add3A_110, %sign3A_113 : i32
        %sign3A_115 = arith.extui %sign3A_114 : i1 to i32
        %sign3A_116 = arith.constant 0 : i32
        %sign3A_117 = arith.cmpi slt, %add3A_110, %sign3A_116 : i32
        %sign3A_118 = arith.extui %sign3A_117 : i1 to i32
        %sign3A_119 = arith.subi %sign3A_115, %sign3A_118 : i32
        %sign3A_120 = arith.constant 0 : i32
        %sign3A_121 = arith.cmpi sgt, %jit3A_111, %sign3A_120 : i32
        %sign3A_122 = arith.extui %sign3A_121 : i1 to i32
        %sign3A_123 = arith.constant 0 : i32
        %sign3A_124 = arith.cmpi slt, %jit3A_111, %sign3A_123 : i32
        %sign3A_125 = arith.extui %sign3A_124 : i1 to i32
        %sign3A_126 = arith.subi %sign3A_122, %sign3A_125 : i32
        %ne3A_127 = arith.cmpi ne, %sign3A_119, %sign3A_126 : i32
        %rem3A_128 = arith.remsi %add3A_110, %jit3A_111 : i32
        %ne3A_129 = arith.constant 0 : i32
        %ne3A_130 = arith.cmpi ne, %rem3A_128, %ne3A_129 : i32
        %and3A_131 = arith.andi %ne3A_127, %ne3A_130 : i1
        %sub3A_132 = arith.constant 1 : i32
        %sub3A_133 = arith.subi %div3A_112, %sub3A_132 : i32
        %select_n3A_134 = arith.select %and3A_131, %sub3A_133, %div3A_112 : i32
        %broadcast_in_dim3A_135 = arith.constant 0 : i32
        %broadcast_in_dim3A_136 = vector.broadcast %broadcast_in_dim3A_135 : i32 to vector<16xi32>
        %parallel_loop3A_137 = arith.constant 0 : i32
        %parallel_loop3A_138 = arith.constant 1 : i32
        %parallel_loop3A_139:2 = scf.for %parallel_loop3A_182 = %parallel_loop3A_137 to %select_n3A_134 step %parallel_loop3A_138 iter_args(%parallel_loop3A_183 = %broadcast_in_dim3A_19, %parallel_loop3A_184 = %broadcast_in_dim3A_136) -> (vector<16xf32>, vector<16xi32>)  : i32 {
          %parallel_loop3A_185 = arith.constant 16 : i32
          %parallel_loop3A_186 = arith.muli %parallel_loop3A_182, %parallel_loop3A_185 : i32
          %parallel_loop3A_187 = arith.index_cast %parallel_loop3A_186 : i32 to index
          %parallel_loop3A_188 = tpu.vector_load %arg9[%parallel_loop3A_187] {strides = array<i32>} : memref<5024xf32, #tpu.memory_space<vmem>>, vector<16xf32>,
          %parallel_loop3A_189 = arith.cmpf ogt, %parallel_loop3A_188, %parallel_loop3A_183 : vector<16xf32>
          %parallel_loop3A_190 = arith.select %parallel_loop3A_189, %parallel_loop3A_188, %parallel_loop3A_183 : vector<16xi1>, vector<16xf32>
          %parallel_loop3A_191 = arith.constant 16 : i32
          %parallel_loop3A_192 = arith.muli %parallel_loop3A_182, %parallel_loop3A_191 : i32
          %parallel_loop3A_193 = vector.broadcast %parallel_loop3A_192 : i32 to vector<16xi32>
          %parallel_loop3A_194 = arith.addi %parallel_loop3A_193, %iota3A : vector<16xi32>
          %parallel_loop3A_195 = arith.select %parallel_loop3A_189, %parallel_loop3A_194, %parallel_loop3A_184 : vector<16xi1>, vector<16xi32>
          scf.yield %parallel_loop3A_190, %parallel_loop3A_195 : vector<16xf32>, vector<16xi32>
        } {sc.loop_unroll_factor = 4 : i64, sc.parallel_access}
        %reduce_max3A = arith.constant true
        %reduce_max3A_140 = vector.broadcast %reduce_max3A : i1 to vector<16xi1>
        %reduce_max3A_141 = tpu.scan <max>, %parallel_loop3A_139#0 masked %reduce_max3A_140 : vector<16xf32>, vector<16xi1> -> vector<16xf32>
        %reduce_max3A_142 = vector.extract %reduce_max3A_141[15] : f32 from vector<16xf32>
        %eq3A_143 = vector.broadcast %reduce_max3A_142 : f32 to vector<16xf32>
        %eq3A_144 = arith.cmpf oeq, %parallel_loop3A_139#0, %eq3A_143 : vector<16xf32>
        %jit3A_145 = arith.constant 1073741824 : i32
        %broadcast_in_dim3A_146 = vector.broadcast %jit3A_145 : i32 to vector<16xi32>
        %select_n3A_147 = arith.select %eq3A_144, %parallel_loop3A_139#1, %broadcast_in_dim3A_146 : vector<16xi1>, vector<16xi32>
        %reduce_min3A = arith.constant true
        %reduce_min3A_148 = vector.broadcast %reduce_min3A : i1 to vector<16xi1>
        %reduce_min3A_149 = arith.constant -2147483648 : i32
        %reduce_min3A_150 = vector.broadcast %reduce_min3A_149 : i32 to vector<16xi32>
        %reduce_min3A_151 = arith.xori %select_n3A_147, %reduce_min3A_150 : vector<16xi32>
        %reduce_min3A_152 = tpu.scan <min>, %reduce_min3A_151 masked %reduce_min3A_148 : vector<16xi32>, vector<16xi1> -> vector<16xi32>
        %reduce_min3A_153 = arith.xori %reduce_min3A_152, %reduce_min3A_150 : vector<16xi32>
        %reduce_min3A_154 = vector.extract %reduce_min3A_153[15] : i32 from vector<16xi32>
        %gt3A = arith.constant 0.000000e+00 : f32
        %gt3A_155 = arith.cmpf ogt, %reduce_max3A_142, %gt3A : f32
        %jit3A_156 = arith.constant 1073741824 : i32
        %select_n3A_157 = arith.select %gt3A_155, %reduce_min3A_154, %jit3A_156 : i32
        %scan3A = arith.constant 0 : i32
        %scan3A_158 = arith.constant 24 : i32
        %scan3A_159 = arith.addi %scan3A, %scan3A_158 : i32
        %scan3A_160 = arith.constant 1 : i32
        %scan3A_161:2 = scf.for %scan3A_182 = %scan3A to %scan3A_159 step %scan3A_160 iter_args(%scan3A_183 = %reduce_max3A_142, %scan3A_184 = %select_n3A_157) -> (f32, i32)  : i32 {
          %gt3A_185 = arith.constant 0.000000e+00 : f32
          %gt3A_186 = arith.cmpf ogt, %scan3A_183, %gt3A_185 : f32
          %min3A = arith.minsi %scan3A_184, %while3A_108 : i32
          %get3A = arith.index_cast %min3A : i32 to index
          %get3A_187 = tpu.vector_load %arg9[%get3A] {strides = array<i32>} : memref<5024xf32, #tpu.memory_space<vmem>>, vector<16xf32>,
          %lt3A_188 = arith.constant 0 : i32
          %lt3A_189 = vector.broadcast %lt3A_188 : i32 to vector<16xi32>
          %lt3A_190 = arith.cmpi slt, %broadcast_in_dim3A_23, %lt3A_189 : vector<16xi32>
          %add3A_191 = arith.constant 16 : i32
          %add3A_192 = vector.broadcast %add3A_191 : i32 to vector<16xi32>
          %add3A_193 = arith.addi %broadcast_in_dim3A_23, %add3A_192 : vector<16xi32>
          %select_n3A_194 = arith.select %lt3A_190, %add3A_193, %broadcast_in_dim3A_23 : vector<16xi1>, vector<16xi32>
          %broadcast_in_dim3A_195 = vector.shape_cast %select_n3A_194 : vector<16xi32> to vector<16x1xi32>
          %gather3A = vector.shape_cast %broadcast_in_dim3A_195 : vector<16x1xi32> to vector<16xi32>
          %gather3A_196 = tpu.dynamic_gather %get3A_187[%gather3A] in [0] : vector<16xf32>, vector<16xi32> -> vector<16xf32>
          %get3A_197 = arith.index_cast %min3A : i32 to index
          %get3A_198 = tpu.vector_load %arg10[%get3A_197] {strides = array<i32>} : memref<5024xf32, #tpu.memory_space<vmem>>, vector<16xf32>,
          %lt3A_199 = arith.constant 0 : i32
          %lt3A_200 = vector.broadcast %lt3A_199 : i32 to vector<16xi32>
          %lt3A_201 = arith.cmpi slt, %broadcast_in_dim3A_23, %lt3A_200 : vector<16xi32>
          %add3A_202 = arith.constant 16 : i32
          %add3A_203 = vector.broadcast %add3A_202 : i32 to vector<16xi32>
          %add3A_204 = arith.addi %broadcast_in_dim3A_23, %add3A_203 : vector<16xi32>
          %select_n3A_205 = arith.select %lt3A_201, %add3A_204, %broadcast_in_dim3A_23 : vector<16xi1>, vector<16xi32>
          %broadcast_in_dim3A_206 = vector.shape_cast %select_n3A_205 : vector<16xi32> to vector<16x1xi32>
          %gather3A_207 = vector.shape_cast %broadcast_in_dim3A_206 : vector<16x1xi32> to vector<16xi32>
          %gather3A_208 = tpu.dynamic_gather %get3A_198[%gather3A_207] in [0] : vector<16xf32>, vector<16xi32> -> vector<16xf32>
          %get3A_209 = arith.index_cast %min3A : i32 to index
          %get3A_210 = tpu.vector_load %arg11[%get3A_209] {strides = array<i32>} : memref<5024xf32, #tpu.memory_space<vmem>>, vector<16xf32>,
          %lt3A_211 = arith.constant 0 : i32
          %lt3A_212 = vector.broadcast %lt3A_211 : i32 to vector<16xi32>
          %lt3A_213 = arith.cmpi slt, %broadcast_in_dim3A_23, %lt3A_212 : vector<16xi32>
          %add3A_214 = arith.constant 16 : i32
          %add3A_215 = vector.broadcast %add3A_214 : i32 to vector<16xi32>
          %add3A_216 = arith.addi %broadcast_in_dim3A_23, %add3A_215 : vector<16xi32>
          %select_n3A_217 = arith.select %lt3A_213, %add3A_216, %broadcast_in_dim3A_23 : vector<16xi1>, vector<16xi32>
          %broadcast_in_dim3A_218 = vector.shape_cast %select_n3A_217 : vector<16xi32> to vector<16x1xi32>
          %gather3A_219 = vector.shape_cast %broadcast_in_dim3A_218 : vector<16x1xi32> to vector<16xi32>
          %gather3A_220 = tpu.dynamic_gather %get3A_210[%gather3A_219] in [0] : vector<16xf32>, vector<16xi32> -> vector<16xf32>
          %get3A_221 = arith.index_cast %min3A : i32 to index
          %get3A_222 = tpu.vector_load %arg12[%get3A_221] {strides = array<i32>} : memref<5024xf32, #tpu.memory_space<vmem>>, vector<16xf32>,
          %lt3A_223 = arith.constant 0 : i32
          %lt3A_224 = vector.broadcast %lt3A_223 : i32 to vector<16xi32>
          %lt3A_225 = arith.cmpi slt, %broadcast_in_dim3A_23, %lt3A_224 : vector<16xi32>
          %add3A_226 = arith.constant 16 : i32
          %add3A_227 = vector.broadcast %add3A_226 : i32 to vector<16xi32>
          %add3A_228 = arith.addi %broadcast_in_dim3A_23, %add3A_227 : vector<16xi32>
          %select_n3A_229 = arith.select %lt3A_225, %add3A_228, %broadcast_in_dim3A_23 : vector<16xi1>, vector<16xi32>
          %broadcast_in_dim3A_230 = vector.shape_cast %select_n3A_229 : vector<16xi32> to vector<16x1xi32>
          %gather3A_231 = vector.shape_cast %broadcast_in_dim3A_230 : vector<16x1xi32> to vector<16xi32>
          %gather3A_232 = tpu.dynamic_gather %get3A_222[%gather3A_231] in [0] : vector<16xf32>, vector<16xi32> -> vector<16xf32>
          %get3A_233 = arith.index_cast %min3A : i32 to index
          %get3A_234 = tpu.vector_load %arg13[%get3A_233] {strides = array<i32>} : memref<5024xf32, #tpu.memory_space<vmem>>, vector<16xf32>,
          %lt3A_235 = arith.constant 0 : i32
          %lt3A_236 = vector.broadcast %lt3A_235 : i32 to vector<16xi32>
          %lt3A_237 = arith.cmpi slt, %broadcast_in_dim3A_23, %lt3A_236 : vector<16xi32>
          %add3A_238 = arith.constant 16 : i32
          %add3A_239 = vector.broadcast %add3A_238 : i32 to vector<16xi32>
          %add3A_240 = arith.addi %broadcast_in_dim3A_23, %add3A_239 : vector<16xi32>
          %select_n3A_241 = arith.select %lt3A_237, %add3A_240, %broadcast_in_dim3A_23 : vector<16xi1>, vector<16xi32>
          %broadcast_in_dim3A_242 = vector.shape_cast %select_n3A_241 : vector<16xi32> to vector<16x1xi32>
          %gather3A_243 = vector.shape_cast %broadcast_in_dim3A_242 : vector<16x1xi32> to vector<16xi32>
          %gather3A_244 = tpu.dynamic_gather %get3A_234[%gather3A_243] in [0] : vector<16xf32>, vector<16xi32> -> vector<16xf32>
          %get3A_245 = arith.index_cast %min3A : i32 to index
          %get3A_246 = tpu.vector_load %arg14[%get3A_245] {strides = array<i32>} : memref<5024xf32, #tpu.memory_space<vmem>>, vector<16xf32>,
          %lt3A_247 = arith.constant 0 : i32
          %lt3A_248 = vector.broadcast %lt3A_247 : i32 to vector<16xi32>
          %lt3A_249 = arith.cmpi slt, %broadcast_in_dim3A_23, %lt3A_248 : vector<16xi32>
          %add3A_250 = arith.constant 16 : i32
          %add3A_251 = vector.broadcast %add3A_250 : i32 to vector<16xi32>
          %add3A_252 = arith.addi %broadcast_in_dim3A_23, %add3A_251 : vector<16xi32>
          %select_n3A_253 = arith.select %lt3A_249, %add3A_252, %broadcast_in_dim3A_23 : vector<16xi1>, vector<16xi32>
          %broadcast_in_dim3A_254 = vector.shape_cast %select_n3A_253 : vector<16xi32> to vector<16x1xi32>
          %gather3A_255 = vector.shape_cast %broadcast_in_dim3A_254 : vector<16x1xi32> to vector<16xi32>
          %gather3A_256 = tpu.dynamic_gather %get3A_246[%gather3A_255] in [0] : vector<16xf32>, vector<16xi32> -> vector<16xf32>
          %get3A_257 = arith.index_cast %min3A : i32 to index
          %get3A_258 = tpu.vector_load %arg15[%get3A_257] {strides = array<i32>} : memref<5024xi32, #tpu.memory_space<vmem>>, vector<16xi32>,
          tpu.vector_store_idx %arg4[%get3A_258], %gather3A_196 masked %eq3A_21 : memref<5024xf32, #tpu.memory_space<vmem>>[vector<16xi32>], vector<16xf32>, vector<16xi1>
          tpu.vector_store_idx %arg5[%get3A_258], %gather3A_208 masked %eq3A_21 : memref<5024xf32, #tpu.memory_space<vmem>>[vector<16xi32>], vector<16xf32>, vector<16xi1>
          tpu.vector_store_idx %arg6[%get3A_258], %gather3A_220 masked %eq3A_21 : memref<5024xf32, #tpu.memory_space<vmem>>[vector<16xi32>], vector<16xf32>, vector<16xi1>
          tpu.vector_store_idx %arg7[%get3A_258], %gather3A_232 masked %eq3A_21 : memref<5024xf32, #tpu.memory_space<vmem>>[vector<16xi32>], vector<16xf32>, vector<16xi1>
          tpu.vector_store_idx %arg8[%get3A_258], %gather3A_244 masked %eq3A_21 : memref<5024xf32, #tpu.memory_space<vmem>>[vector<16xi32>], vector<16xf32>, vector<16xi1>
          %get3A_259 = arith.index_cast %min3A : i32 to index
          %get3A_260 = tpu.vector_load %arg16[%get3A_259] {strides = array<i32>} : memref<5024xi32, #tpu.memory_space<vmem>>, vector<16xi32>,
          tpu.vector_store_idx %arg9[%get3A_260], %broadcast_in_dim3A_19 masked %eq3A_21 : memref<5024xf32, #tpu.memory_space<vmem>>[vector<16xi32>], vector<16xf32>, vector<16xi1>
          %jit3A_261 = arith.constant 0 : i32
          %select_n3A_262 = arith.select %gt3A_186, %select_n3A_134, %jit3A_261 : i32
          %broadcast_in_dim3A_263 = arith.constant 0 : i32
          %broadcast_in_dim3A_264 = vector.broadcast %broadcast_in_dim3A_263 : i32 to vector<16xi32>
          %parallel_loop3A_265 = arith.constant 0 : i32
          %parallel_loop3A_266 = arith.constant 1 : i32
          %parallel_loop3A_267:2 = scf.for %parallel_loop3A_291 = %parallel_loop3A_265 to %select_n3A_262 step %parallel_loop3A_266 iter_args(%parallel_loop3A_292 = %broadcast_in_dim3A_19, %parallel_loop3A_293 = %broadcast_in_dim3A_264) -> (vector<16xf32>, vector<16xi32>)  : i32 {
            %parallel_loop3A_294 = arith.constant 16 : i32
            %parallel_loop3A_295 = arith.muli %parallel_loop3A_291, %parallel_loop3A_294 : i32
            %parallel_loop3A_296 = arith.index_cast %parallel_loop3A_295 : i32 to index
            %parallel_loop3A_297 = tpu.vector_load %arg9[%parallel_loop3A_296] {strides = array<i32>} : memref<5024xf32, #tpu.memory_space<vmem>>, vector<16xf32>,
            %parallel_loop3A_298 = arith.index_cast %parallel_loop3A_295 : i32 to index
            %parallel_loop3A_299 = tpu.vector_load %arg10[%parallel_loop3A_298] {strides = array<i32>} : memref<5024xf32, #tpu.memory_space<vmem>>, vector<16xf32>,
            %parallel_loop3A_300 = arith.maximumf %gather3A_208, %parallel_loop3A_299 : vector<16xf32>
            %parallel_loop3A_301 = arith.index_cast %parallel_loop3A_295 : i32 to index
            %parallel_loop3A_302 = tpu.vector_load %arg11[%parallel_loop3A_301] {strides = array<i32>} : memref<5024xf32, #tpu.memory_space<vmem>>, vector<16xf32>,
            %parallel_loop3A_303 = arith.maximumf %gather3A_220, %parallel_loop3A_302 : vector<16xf32>
            %parallel_loop3A_304 = arith.index_cast %parallel_loop3A_295 : i32 to index
            %parallel_loop3A_305 = tpu.vector_load %arg12[%parallel_loop3A_304] {strides = array<i32>} : memref<5024xf32, #tpu.memory_space<vmem>>, vector<16xf32>,
            %parallel_loop3A_306 = arith.minimumf %gather3A_232, %parallel_loop3A_305 : vector<16xf32>
            %parallel_loop3A_307 = arith.index_cast %parallel_loop3A_295 : i32 to index
            %parallel_loop3A_308 = tpu.vector_load %arg13[%parallel_loop3A_307] {strides = array<i32>} : memref<5024xf32, #tpu.memory_space<vmem>>, vector<16xf32>,
            %parallel_loop3A_309 = arith.minimumf %gather3A_244, %parallel_loop3A_308 : vector<16xf32>
            %parallel_loop3A_310 = arith.subf %parallel_loop3A_306, %parallel_loop3A_300 : vector<16xf32>
            %parallel_loop3A_311 = arith.constant 0.000000e+00 : f32
            %parallel_loop3A_312 = vector.broadcast %parallel_loop3A_311 : f32 to vector<16xf32>
            %parallel_loop3A_313 = arith.maximumf %parallel_loop3A_310, %parallel_loop3A_312 : vector<16xf32>
            %parallel_loop3A_314 = arith.subf %parallel_loop3A_309, %parallel_loop3A_303 : vector<16xf32>
            %parallel_loop3A_315 = arith.constant 0.000000e+00 : f32
            %parallel_loop3A_316 = vector.broadcast %parallel_loop3A_315 : f32 to vector<16xf32>
            %parallel_loop3A_317 = arith.maximumf %parallel_loop3A_314, %parallel_loop3A_316 : vector<16xf32>
            %parallel_loop3A_318 = arith.mulf %parallel_loop3A_313, %parallel_loop3A_317 : vector<16xf32>
            %parallel_loop3A_319 = arith.index_cast %parallel_loop3A_295 : i32 to index
            %parallel_loop3A_320 = tpu.vector_load %arg14[%parallel_loop3A_319] {strides = array<i32>} : memref<5024xf32, #tpu.memory_space<vmem>>, vector<16xf32>,
            %parallel_loop3A_321 = arith.addf %gather3A_256, %parallel_loop3A_320 : vector<16xf32>
            %parallel_loop3A_322 = arith.subf %parallel_loop3A_321, %parallel_loop3A_318 : vector<16xf32>
            %parallel_loop3A_323 = arith.constant 9.99999993E-9 : f32
            %parallel_loop3A_324 = vector.broadcast %parallel_loop3A_323 : f32 to vector<16xf32>
            %parallel_loop3A_325 = arith.addf %parallel_loop3A_322, %parallel_loop3A_324 : vector<16xf32>
            %parallel_loop3A_326 = arith.divf %parallel_loop3A_318, %parallel_loop3A_325 : vector<16xf32>
            %parallel_loop3A_327 = arith.constant 3.000000e-01 : f32
            %parallel_loop3A_328 = vector.broadcast %parallel_loop3A_327 : f32 to vector<16xf32>
            %parallel_loop3A_329 = arith.cmpf ogt, %parallel_loop3A_326, %parallel_loop3A_328 : vector<16xf32>
            %parallel_loop3A_330 = arith.constant -3.000000e+38 : f32
            %parallel_loop3A_331 = vector.broadcast %parallel_loop3A_330 : f32 to vector<16xf32>
            %parallel_loop3A_332 = arith.select %parallel_loop3A_329, %parallel_loop3A_331, %parallel_loop3A_297 : vector<16xi1>, vector<16xf32>
            %parallel_loop3A_333 = arith.index_cast %parallel_loop3A_295 : i32 to index
            %parallel_loop3A_334 = tpu.vector_load %arg9[%parallel_loop3A_333] {strides = array<i32>} : memref<5024xf32, #tpu.memory_space<vmem>>, vector<16xf32>,
            tpu.vector_store %arg9[%parallel_loop3A_333], %parallel_loop3A_332 {strides = array<i32>} : memref<5024xf32, #tpu.memory_space<vmem>>, vector<16xf32>,
            %parallel_loop3A_335 = arith.cmpf ogt, %parallel_loop3A_332, %parallel_loop3A_292 : vector<16xf32>
            %parallel_loop3A_336 = arith.select %parallel_loop3A_335, %parallel_loop3A_332, %parallel_loop3A_292 : vector<16xi1>, vector<16xf32>
            %parallel_loop3A_337 = arith.constant 16 : i32
            %parallel_loop3A_338 = arith.muli %parallel_loop3A_291, %parallel_loop3A_337 : i32
            %parallel_loop3A_339 = vector.broadcast %parallel_loop3A_338 : i32 to vector<16xi32>
            %parallel_loop3A_340 = arith.addi %parallel_loop3A_339, %iota3A : vector<16xi32>
            %parallel_loop3A_341 = arith.select %parallel_loop3A_335, %parallel_loop3A_340, %parallel_loop3A_293 : vector<16xi1>, vector<16xi32>
            scf.yield %parallel_loop3A_336, %parallel_loop3A_341 : vector<16xf32>, vector<16xi32>
          } {sc.loop_unroll_factor = 4 : i64, sc.parallel_access}
          %reduce_max3A_268 = arith.constant true
          %reduce_max3A_269 = vector.broadcast %reduce_max3A_268 : i1 to vector<16xi1>
          %reduce_max3A_270 = tpu.scan <max>, %parallel_loop3A_267#0 masked %reduce_max3A_269 : vector<16xf32>, vector<16xi1> -> vector<16xf32>
          %reduce_max3A_271 = vector.extract %reduce_max3A_270[15] : f32 from vector<16xf32>
          %eq3A_272 = vector.broadcast %reduce_max3A_271 : f32 to vector<16xf32>
          %eq3A_273 = arith.cmpf oeq, %parallel_loop3A_267#0, %eq3A_272 : vector<16xf32>
          %jit3A_274 = arith.constant 1073741824 : i32
          %broadcast_in_dim3A_275 = vector.broadcast %jit3A_274 : i32 to vector<16xi32>
          %select_n3A_276 = arith.select %eq3A_273, %parallel_loop3A_267#1, %broadcast_in_dim3A_275 : vector<16xi1>, vector<16xi32>
          %reduce_min3A_277 = arith.constant true
          %reduce_min3A_278 = vector.broadcast %reduce_min3A_277 : i1 to vector<16xi1>
          %reduce_min3A_279 = arith.constant -2147483648 : i32
          %reduce_min3A_280 = vector.broadcast %reduce_min3A_279 : i32 to vector<16xi32>
          %reduce_min3A_281 = arith.xori %select_n3A_276, %reduce_min3A_280 : vector<16xi32>
          %reduce_min3A_282 = tpu.scan <min>, %reduce_min3A_281 masked %reduce_min3A_278 : vector<16xi32>, vector<16xi1> -> vector<16xi32>
          %reduce_min3A_283 = arith.xori %reduce_min3A_282, %reduce_min3A_280 : vector<16xi32>
          %reduce_min3A_284 = vector.extract %reduce_min3A_283[15] : i32 from vector<16xi32>
          %gt3A_285 = arith.constant 0.000000e+00 : f32
          %gt3A_286 = arith.cmpf ogt, %reduce_max3A_271, %gt3A_285 : f32
          %jit3A_287 = arith.constant 1073741824 : i32
          %select_n3A_288 = arith.select %gt3A_286, %reduce_min3A_284, %jit3A_287 : i32
          %select_n3A_289 = arith.select %gt3A_186, %reduce_max3A_271, %scan3A_183 : f32
          %select_n3A_290 = arith.select %gt3A_186, %select_n3A_288, %scan3A_184 : i32
          scf.yield %select_n3A_289, %select_n3A_290 : f32, i32
        }
        %scan3A_162 = arith.constant 24 : i32
        %while3A_163 = arith.constant 0 : i32
        %while3A_164 = arith.constant 0 : i32
        %while3A_165 = arith.subi %select_n3A_134, %while3A_163 : i32
        %while3A_166 = arith.addi %while3A_163, %while3A_165 : i32
        %while3A_167 = arith.constant 1 : i32
        %while3A_168 = arith.divsi %while3A_165, %while3A_167 : i32
        %while3A_169 = arith.muli %while3A_168, %while3A_167 : i32
        %while3A_170 = arith.addi %while3A_163, %while3A_169 : i32
        %while3A_171 = arith.constant 1 : i32
        %while3A_172 = scf.for %while3A_182 = %while3A_163 to %while3A_170 step %while3A_171 iter_args(%while3A_183 = %while3A_164) -> (i32)  : i32 {
          %mul3A_184 = arith.constant 16 : i32
          %mul3A_185 = arith.muli %while3A_182, %mul3A_184 : i32
          %get3A = arith.index_cast %mul3A_185 : i32 to index
          %get3A_186 = tpu.vector_load %arg9[%get3A] {strides = array<i32>} : memref<5024xf32, #tpu.memory_space<vmem>>, vector<16xf32>,
          %gt3A_187 = arith.constant 0.000000e+00 : f32
          %gt3A_188 = vector.broadcast %gt3A_187 : f32 to vector<16xf32>
          %gt3A_189 = arith.cmpf ogt, %get3A_186, %gt3A_188 : vector<16xf32>
          %get3A_190 = arith.index_cast %mul3A_185 : i32 to index
          %get3A_191 = tpu.vector_load %arg10[%get3A_190] {strides = array<i32>} : memref<5024xf32, #tpu.memory_space<vmem>>, vector<16xf32>,
          %get3A_192 = arith.index_cast %mul3A_185 : i32 to index
          %get3A_193 = tpu.vector_load %arg11[%get3A_192] {strides = array<i32>} : memref<5024xf32, #tpu.memory_space<vmem>>, vector<16xf32>,
          %get3A_194 = arith.index_cast %mul3A_185 : i32 to index
          %get3A_195 = tpu.vector_load %arg12[%get3A_194] {strides = array<i32>} : memref<5024xf32, #tpu.memory_space<vmem>>, vector<16xf32>,
          %get3A_196 = arith.index_cast %mul3A_185 : i32 to index
          %get3A_197 = tpu.vector_load %arg13[%get3A_196] {strides = array<i32>} : memref<5024xf32, #tpu.memory_space<vmem>>, vector<16xf32>,
          %get3A_198 = arith.index_cast %mul3A_185 : i32 to index
          %get3A_199 = tpu.vector_load %arg14[%get3A_198] {strides = array<i32>} : memref<5024xf32, #tpu.memory_space<vmem>>, vector<16xf32>,
          %get3A_200 = arith.index_cast %mul3A_185 : i32 to index
          %get3A_201 = tpu.vector_load %arg15[%get3A_200] {strides = array<i32>} : memref<5024xi32, #tpu.memory_space<vmem>>, vector<16xi32>,
          %convert_element_type3A_202 = arith.extui %gt3A_189 : vector<16xi1> to vector<16xi32>
          %broadcast_in_dim3A_203 = arith.constant true
          %broadcast_in_dim3A_204 = vector.broadcast %broadcast_in_dim3A_203 : i1 to vector<16xi1>
          %masked_cumsum3A = tpu.scan <sum>, %convert_element_type3A_202 masked %broadcast_in_dim3A_204 : vector<16xi32>, vector<16xi1> -> vector<16xi32>
          %add3A_205 = vector.broadcast %while3A_183 : i32 to vector<16xi32>
          %add3A_206 = arith.addi %add3A_205, %masked_cumsum3A : vector<16xi32>
          %sub3A_207 = arith.constant 1 : i32
          %sub3A_208 = vector.broadcast %sub3A_207 : i32 to vector<16xi32>
          %sub3A_209 = arith.subi %add3A_206, %sub3A_208 : vector<16xi32>
          tpu.vector_store_idx %arg9[%sub3A_209], %get3A_186 masked %gt3A_189 : memref<5024xf32, #tpu.memory_space<vmem>>[vector<16xi32>], vector<16xf32>, vector<16xi1>
          tpu.vector_store_idx %arg10[%sub3A_209], %get3A_191 masked %gt3A_189 : memref<5024xf32, #tpu.memory_space<vmem>>[vector<16xi32>], vector<16xf32>, vector<16xi1>
          tpu.vector_store_idx %arg11[%sub3A_209], %get3A_193 masked %gt3A_189 : memref<5024xf32, #tpu.memory_space<vmem>>[vector<16xi32>], vector<16xf32>, vector<16xi1>
          tpu.vector_store_idx %arg12[%sub3A_209], %get3A_195 masked %gt3A_189 : memref<5024xf32, #tpu.memory_space<vmem>>[vector<16xi32>], vector<16xf32>, vector<16xi1>
          tpu.vector_store_idx %arg13[%sub3A_209], %get3A_197 masked %gt3A_189 : memref<5024xf32, #tpu.memory_space<vmem>>[vector<16xi32>], vector<16xf32>, vector<16xi1>
          tpu.vector_store_idx %arg14[%sub3A_209], %get3A_199 masked %gt3A_189 : memref<5024xf32, #tpu.memory_space<vmem>>[vector<16xi32>], vector<16xf32>, vector<16xi1>
          tpu.vector_store_idx %arg15[%sub3A_209], %get3A_201 masked %gt3A_189 : memref<5024xi32, #tpu.memory_space<vmem>>[vector<16xi32>], vector<16xi32>, vector<16xi1>
          %slice3A = vector.extract_strided_slice %masked_cumsum3A {offsets = [15], sizes = [1], strides = [1]} : vector<16xi32> to vector<1xi32>
          %squeeze3A = vector.extract %slice3A[0] : i32 from vector<1xi32>
          %add3A_210 = arith.addi %while3A_183, %squeeze3A : i32
          scf.yield %add3A_210 : i32
        }
        %while3A_173 = arith.constant 1 : i32
        %while3A_174 = scf.for %while3A_182 = %while3A_170 to %while3A_166 step %while3A_173 iter_args(%while3A_183 = %while3A_172) -> (i32)  : i32 {
          %mul3A_184 = arith.constant 16 : i32
          %mul3A_185 = arith.muli %while3A_182, %mul3A_184 : i32
          %get3A = arith.index_cast %mul3A_185 : i32 to index
          %get3A_186 = tpu.vector_load %arg9[%get3A] {strides = array<i32>} : memref<5024xf32, #tpu.memory_space<vmem>>, vector<16xf32>,
          %gt3A_187 = arith.constant 0.000000e+00 : f32
          %gt3A_188 = vector.broadcast %gt3A_187 : f32 to vector<16xf32>
          %gt3A_189 = arith.cmpf ogt, %get3A_186, %gt3A_188 : vector<16xf32>
          %get3A_190 = arith.index_cast %mul3A_185 : i32 to index
          %get3A_191 = tpu.vector_load %arg10[%get3A_190] {strides = array<i32>} : memref<5024xf32, #tpu.memory_space<vmem>>, vector<16xf32>,
          %get3A_192 = arith.index_cast %mul3A_185 : i32 to index
          %get3A_193 = tpu.vector_load %arg11[%get3A_192] {strides = array<i32>} : memref<5024xf32, #tpu.memory_space<vmem>>, vector<16xf32>,
          %get3A_194 = arith.index_cast %mul3A_185 : i32 to index
          %get3A_195 = tpu.vector_load %arg12[%get3A_194] {strides = array<i32>} : memref<5024xf32, #tpu.memory_space<vmem>>, vector<16xf32>,
          %get3A_196 = arith.index_cast %mul3A_185 : i32 to index
          %get3A_197 = tpu.vector_load %arg13[%get3A_196] {strides = array<i32>} : memref<5024xf32, #tpu.memory_space<vmem>>, vector<16xf32>,
          %get3A_198 = arith.index_cast %mul3A_185 : i32 to index
          %get3A_199 = tpu.vector_load %arg14[%get3A_198] {strides = array<i32>} : memref<5024xf32, #tpu.memory_space<vmem>>, vector<16xf32>,
          %get3A_200 = arith.index_cast %mul3A_185 : i32 to index
          %get3A_201 = tpu.vector_load %arg15[%get3A_200] {strides = array<i32>} : memref<5024xi32, #tpu.memory_space<vmem>>, vector<16xi32>,
          %convert_element_type3A_202 = arith.extui %gt3A_189 : vector<16xi1> to vector<16xi32>
          %broadcast_in_dim3A_203 = arith.constant true
          %broadcast_in_dim3A_204 = vector.broadcast %broadcast_in_dim3A_203 : i1 to vector<16xi1>
          %masked_cumsum3A = tpu.scan <sum>, %convert_element_type3A_202 masked %broadcast_in_dim3A_204 : vector<16xi32>, vector<16xi1> -> vector<16xi32>
          %add3A_205 = vector.broadcast %while3A_183 : i32 to vector<16xi32>
          %add3A_206 = arith.addi %add3A_205, %masked_cumsum3A : vector<16xi32>
          %sub3A_207 = arith.constant 1 : i32
          %sub3A_208 = vector.broadcast %sub3A_207 : i32 to vector<16xi32>
          %sub3A_209 = arith.subi %add3A_206, %sub3A_208 : vector<16xi32>
          tpu.vector_store_idx %arg9[%sub3A_209], %get3A_186 masked %gt3A_189 : memref<5024xf32, #tpu.memory_space<vmem>>[vector<16xi32>], vector<16xf32>, vector<16xi1>
          tpu.vector_store_idx %arg10[%sub3A_209], %get3A_191 masked %gt3A_189 : memref<5024xf32, #tpu.memory_space<vmem>>[vector<16xi32>], vector<16xf32>, vector<16xi1>
          tpu.vector_store_idx %arg11[%sub3A_209], %get3A_193 masked %gt3A_189 : memref<5024xf32, #tpu.memory_space<vmem>>[vector<16xi32>], vector<16xf32>, vector<16xi1>
          tpu.vector_store_idx %arg12[%sub3A_209], %get3A_195 masked %gt3A_189 : memref<5024xf32, #tpu.memory_space<vmem>>[vector<16xi32>], vector<16xf32>, vector<16xi1>
          tpu.vector_store_idx %arg13[%sub3A_209], %get3A_197 masked %gt3A_189 : memref<5024xf32, #tpu.memory_space<vmem>>[vector<16xi32>], vector<16xf32>, vector<16xi1>
          tpu.vector_store_idx %arg14[%sub3A_209], %get3A_199 masked %gt3A_189 : memref<5024xf32, #tpu.memory_space<vmem>>[vector<16xi32>], vector<16xf32>, vector<16xi1>
          tpu.vector_store_idx %arg15[%sub3A_209], %get3A_201 masked %gt3A_189 : memref<5024xi32, #tpu.memory_space<vmem>>[vector<16xi32>], vector<16xi32>, vector<16xi1>
          %slice3A = vector.extract_strided_slice %masked_cumsum3A {offsets = [15], sizes = [1], strides = [1]} : vector<16xi32> to vector<1xi32>
          %squeeze3A = vector.extract %slice3A[0] : i32 from vector<1xi32>
          %add3A_210 = arith.addi %while3A_183, %squeeze3A : i32
          scf.yield %add3A_210 : i32
        }
        %swap3A_175 = arith.index_cast %while3A_174 : i32 to index
        %swap3A_176 = tpu.vector_load %arg9[%swap3A_175] {strides = array<i32>} : memref<5024xf32, #tpu.memory_space<vmem>>, vector<16xf32>,
        tpu.vector_store %arg9[%swap3A_175], %broadcast_in_dim3A_19 {strides = array<i32>} : memref<5024xf32, #tpu.memory_space<vmem>>, vector<16xf32>,
        %add3A_177 = arith.constant 5008 : i32
        %add3A_178 = vector.broadcast %add3A_177 : i32 to vector<16xi32>
        %add3A_179 = arith.addi %broadcast_in_dim3A_23, %add3A_178 : vector<16xi32>
        %swap3A_180 = arith.index_cast %while3A_174 : i32 to index
        %swap3A_181 = tpu.vector_load %arg15[%swap3A_180] {strides = array<i32>} : memref<5024xi32, #tpu.memory_space<vmem>>, vector<16xi32>,
        tpu.vector_store %arg15[%swap3A_180], %add3A_179 {strides = array<i32>} : memref<5024xi32, #tpu.memory_space<vmem>>, vector<16xi32>,
        scf.yield %while3A_174 : i32
      }
      %while3A_91 = arith.constant 1 : i32
      %while3A_92 = scf.for %while3A_107 = %while3A_88 to %while3A_84 step %while3A_91 iter_args(%while3A_108 = %while3A_90) -> (i32)  : i32 {
        %add3A_109 = arith.constant 15 : i32
        %add3A_110 = arith.addi %while3A_108, %add3A_109 : i32
        %jit3A_111 = arith.constant 16 : i32
        %div3A_112 = arith.divsi %add3A_110, %jit3A_111 : i32
        %sign3A_113 = arith.constant 0 : i32
        %sign3A_114 = arith.cmpi sgt, %add3A_110, %sign3A_113 : i32
        %sign3A_115 = arith.extui %sign3A_114 : i1 to i32
        %sign3A_116 = arith.constant 0 : i32
        %sign3A_117 = arith.cmpi slt, %add3A_110, %sign3A_116 : i32
        %sign3A_118 = arith.extui %sign3A_117 : i1 to i32
        %sign3A_119 = arith.subi %sign3A_115, %sign3A_118 : i32
        %sign3A_120 = arith.constant 0 : i32
        %sign3A_121 = arith.cmpi sgt, %jit3A_111, %sign3A_120 : i32
        %sign3A_122 = arith.extui %sign3A_121 : i1 to i32
        %sign3A_123 = arith.constant 0 : i32
        %sign3A_124 = arith.cmpi slt, %jit3A_111, %sign3A_123 : i32
        %sign3A_125 = arith.extui %sign3A_124 : i1 to i32
        %sign3A_126 = arith.subi %sign3A_122, %sign3A_125 : i32
        %ne3A_127 = arith.cmpi ne, %sign3A_119, %sign3A_126 : i32
        %rem3A_128 = arith.remsi %add3A_110, %jit3A_111 : i32
        %ne3A_129 = arith.constant 0 : i32
        %ne3A_130 = arith.cmpi ne, %rem3A_128, %ne3A_129 : i32
        %and3A_131 = arith.andi %ne3A_127, %ne3A_130 : i1
        %sub3A_132 = arith.constant 1 : i32
        %sub3A_133 = arith.subi %div3A_112, %sub3A_132 : i32
        %select_n3A_134 = arith.select %and3A_131, %sub3A_133, %div3A_112 : i32
        %broadcast_in_dim3A_135 = arith.constant 0 : i32
        %broadcast_in_dim3A_136 = vector.broadcast %broadcast_in_dim3A_135 : i32 to vector<16xi32>
        %parallel_loop3A_137 = arith.constant 0 : i32
        %parallel_loop3A_138 = arith.constant 1 : i32
        %parallel_loop3A_139:2 = scf.for %parallel_loop3A_182 = %parallel_loop3A_137 to %select_n3A_134 step %parallel_loop3A_138 iter_args(%parallel_loop3A_183 = %broadcast_in_dim3A_19, %parallel_loop3A_184 = %broadcast_in_dim3A_136) -> (vector<16xf32>, vector<16xi32>)  : i32 {
          %parallel_loop3A_185 = arith.constant 16 : i32
          %parallel_loop3A_186 = arith.muli %parallel_loop3A_182, %parallel_loop3A_185 : i32
          %parallel_loop3A_187 = arith.index_cast %parallel_loop3A_186 : i32 to index
          %parallel_loop3A_188 = tpu.vector_load %arg9[%parallel_loop3A_187] {strides = array<i32>} : memref<5024xf32, #tpu.memory_space<vmem>>, vector<16xf32>,
          %parallel_loop3A_189 = arith.cmpf ogt, %parallel_loop3A_188, %parallel_loop3A_183 : vector<16xf32>
          %parallel_loop3A_190 = arith.select %parallel_loop3A_189, %parallel_loop3A_188, %parallel_loop3A_183 : vector<16xi1>, vector<16xf32>
          %parallel_loop3A_191 = arith.constant 16 : i32
          %parallel_loop3A_192 = arith.muli %parallel_loop3A_182, %parallel_loop3A_191 : i32
          %parallel_loop3A_193 = vector.broadcast %parallel_loop3A_192 : i32 to vector<16xi32>
          %parallel_loop3A_194 = arith.addi %parallel_loop3A_193, %iota3A : vector<16xi32>
          %parallel_loop3A_195 = arith.select %parallel_loop3A_189, %parallel_loop3A_194, %parallel_loop3A_184 : vector<16xi1>, vector<16xi32>
          scf.yield %parallel_loop3A_190, %parallel_loop3A_195 : vector<16xf32>, vector<16xi32>
        } {sc.loop_unroll_factor = 4 : i64, sc.parallel_access}
        %reduce_max3A = arith.constant true
        %reduce_max3A_140 = vector.broadcast %reduce_max3A : i1 to vector<16xi1>
        %reduce_max3A_141 = tpu.scan <max>, %parallel_loop3A_139#0 masked %reduce_max3A_140 : vector<16xf32>, vector<16xi1> -> vector<16xf32>
        %reduce_max3A_142 = vector.extract %reduce_max3A_141[15] : f32 from vector<16xf32>
        %eq3A_143 = vector.broadcast %reduce_max3A_142 : f32 to vector<16xf32>
        %eq3A_144 = arith.cmpf oeq, %parallel_loop3A_139#0, %eq3A_143 : vector<16xf32>
        %jit3A_145 = arith.constant 1073741824 : i32
        %broadcast_in_dim3A_146 = vector.broadcast %jit3A_145 : i32 to vector<16xi32>
        %select_n3A_147 = arith.select %eq3A_144, %parallel_loop3A_139#1, %broadcast_in_dim3A_146 : vector<16xi1>, vector<16xi32>
        %reduce_min3A = arith.constant true
        %reduce_min3A_148 = vector.broadcast %reduce_min3A : i1 to vector<16xi1>
        %reduce_min3A_149 = arith.constant -2147483648 : i32
        %reduce_min3A_150 = vector.broadcast %reduce_min3A_149 : i32 to vector<16xi32>
        %reduce_min3A_151 = arith.xori %select_n3A_147, %reduce_min3A_150 : vector<16xi32>
        %reduce_min3A_152 = tpu.scan <min>, %reduce_min3A_151 masked %reduce_min3A_148 : vector<16xi32>, vector<16xi1> -> vector<16xi32>
        %reduce_min3A_153 = arith.xori %reduce_min3A_152, %reduce_min3A_150 : vector<16xi32>
        %reduce_min3A_154 = vector.extract %reduce_min3A_153[15] : i32 from vector<16xi32>
        %gt3A = arith.constant 0.000000e+00 : f32
        %gt3A_155 = arith.cmpf ogt, %reduce_max3A_142, %gt3A : f32
        %jit3A_156 = arith.constant 1073741824 : i32
        %select_n3A_157 = arith.select %gt3A_155, %reduce_min3A_154, %jit3A_156 : i32
        %scan3A = arith.constant 0 : i32
        %scan3A_158 = arith.constant 24 : i32
        %scan3A_159 = arith.addi %scan3A, %scan3A_158 : i32
        %scan3A_160 = arith.constant 1 : i32
        %scan3A_161:2 = scf.for %scan3A_182 = %scan3A to %scan3A_159 step %scan3A_160 iter_args(%scan3A_183 = %reduce_max3A_142, %scan3A_184 = %select_n3A_157) -> (f32, i32)  : i32 {
          %gt3A_185 = arith.constant 0.000000e+00 : f32
          %gt3A_186 = arith.cmpf ogt, %scan3A_183, %gt3A_185 : f32
          %min3A = arith.minsi %scan3A_184, %while3A_108 : i32
          %get3A = arith.index_cast %min3A : i32 to index
          %get3A_187 = tpu.vector_load %arg9[%get3A] {strides = array<i32>} : memref<5024xf32, #tpu.memory_space<vmem>>, vector<16xf32>,
          %lt3A_188 = arith.constant 0 : i32
          %lt3A_189 = vector.broadcast %lt3A_188 : i32 to vector<16xi32>
          %lt3A_190 = arith.cmpi slt, %broadcast_in_dim3A_23, %lt3A_189 : vector<16xi32>
          %add3A_191 = arith.constant 16 : i32
          %add3A_192 = vector.broadcast %add3A_191 : i32 to vector<16xi32>
          %add3A_193 = arith.addi %broadcast_in_dim3A_23, %add3A_192 : vector<16xi32>
          %select_n3A_194 = arith.select %lt3A_190, %add3A_193, %broadcast_in_dim3A_23 : vector<16xi1>, vector<16xi32>
          %broadcast_in_dim3A_195 = vector.shape_cast %select_n3A_194 : vector<16xi32> to vector<16x1xi32>
          %gather3A = vector.shape_cast %broadcast_in_dim3A_195 : vector<16x1xi32> to vector<16xi32>
          %gather3A_196 = tpu.dynamic_gather %get3A_187[%gather3A] in [0] : vector<16xf32>, vector<16xi32> -> vector<16xf32>
          %get3A_197 = arith.index_cast %min3A : i32 to index
          %get3A_198 = tpu.vector_load %arg10[%get3A_197] {strides = array<i32>} : memref<5024xf32, #tpu.memory_space<vmem>>, vector<16xf32>,
          %lt3A_199 = arith.constant 0 : i32
          %lt3A_200 = vector.broadcast %lt3A_199 : i32 to vector<16xi32>
          %lt3A_201 = arith.cmpi slt, %broadcast_in_dim3A_23, %lt3A_200 : vector<16xi32>
          %add3A_202 = arith.constant 16 : i32
          %add3A_203 = vector.broadcast %add3A_202 : i32 to vector<16xi32>
          %add3A_204 = arith.addi %broadcast_in_dim3A_23, %add3A_203 : vector<16xi32>
          %select_n3A_205 = arith.select %lt3A_201, %add3A_204, %broadcast_in_dim3A_23 : vector<16xi1>, vector<16xi32>
          %broadcast_in_dim3A_206 = vector.shape_cast %select_n3A_205 : vector<16xi32> to vector<16x1xi32>
          %gather3A_207 = vector.shape_cast %broadcast_in_dim3A_206 : vector<16x1xi32> to vector<16xi32>
          %gather3A_208 = tpu.dynamic_gather %get3A_198[%gather3A_207] in [0] : vector<16xf32>, vector<16xi32> -> vector<16xf32>
          %get3A_209 = arith.index_cast %min3A : i32 to index
          %get3A_210 = tpu.vector_load %arg11[%get3A_209] {strides = array<i32>} : memref<5024xf32, #tpu.memory_space<vmem>>, vector<16xf32>,
          %lt3A_211 = arith.constant 0 : i32
          %lt3A_212 = vector.broadcast %lt3A_211 : i32 to vector<16xi32>
          %lt3A_213 = arith.cmpi slt, %broadcast_in_dim3A_23, %lt3A_212 : vector<16xi32>
          %add3A_214 = arith.constant 16 : i32
          %add3A_215 = vector.broadcast %add3A_214 : i32 to vector<16xi32>
          %add3A_216 = arith.addi %broadcast_in_dim3A_23, %add3A_215 : vector<16xi32>
          %select_n3A_217 = arith.select %lt3A_213, %add3A_216, %broadcast_in_dim3A_23 : vector<16xi1>, vector<16xi32>
          %broadcast_in_dim3A_218 = vector.shape_cast %select_n3A_217 : vector<16xi32> to vector<16x1xi32>
          %gather3A_219 = vector.shape_cast %broadcast_in_dim3A_218 : vector<16x1xi32> to vector<16xi32>
          %gather3A_220 = tpu.dynamic_gather %get3A_210[%gather3A_219] in [0] : vector<16xf32>, vector<16xi32> -> vector<16xf32>
          %get3A_221 = arith.index_cast %min3A : i32 to index
          %get3A_222 = tpu.vector_load %arg12[%get3A_221] {strides = array<i32>} : memref<5024xf32, #tpu.memory_space<vmem>>, vector<16xf32>,
          %lt3A_223 = arith.constant 0 : i32
          %lt3A_224 = vector.broadcast %lt3A_223 : i32 to vector<16xi32>
          %lt3A_225 = arith.cmpi slt, %broadcast_in_dim3A_23, %lt3A_224 : vector<16xi32>
          %add3A_226 = arith.constant 16 : i32
          %add3A_227 = vector.broadcast %add3A_226 : i32 to vector<16xi32>
          %add3A_228 = arith.addi %broadcast_in_dim3A_23, %add3A_227 : vector<16xi32>
          %select_n3A_229 = arith.select %lt3A_225, %add3A_228, %broadcast_in_dim3A_23 : vector<16xi1>, vector<16xi32>
          %broadcast_in_dim3A_230 = vector.shape_cast %select_n3A_229 : vector<16xi32> to vector<16x1xi32>
          %gather3A_231 = vector.shape_cast %broadcast_in_dim3A_230 : vector<16x1xi32> to vector<16xi32>
          %gather3A_232 = tpu.dynamic_gather %get3A_222[%gather3A_231] in [0] : vector<16xf32>, vector<16xi32> -> vector<16xf32>
          %get3A_233 = arith.index_cast %min3A : i32 to index
          %get3A_234 = tpu.vector_load %arg13[%get3A_233] {strides = array<i32>} : memref<5024xf32, #tpu.memory_space<vmem>>, vector<16xf32>,
          %lt3A_235 = arith.constant 0 : i32
          %lt3A_236 = vector.broadcast %lt3A_235 : i32 to vector<16xi32>
          %lt3A_237 = arith.cmpi slt, %broadcast_in_dim3A_23, %lt3A_236 : vector<16xi32>
          %add3A_238 = arith.constant 16 : i32
          %add3A_239 = vector.broadcast %add3A_238 : i32 to vector<16xi32>
          %add3A_240 = arith.addi %broadcast_in_dim3A_23, %add3A_239 : vector<16xi32>
          %select_n3A_241 = arith.select %lt3A_237, %add3A_240, %broadcast_in_dim3A_23 : vector<16xi1>, vector<16xi32>
          %broadcast_in_dim3A_242 = vector.shape_cast %select_n3A_241 : vector<16xi32> to vector<16x1xi32>
          %gather3A_243 = vector.shape_cast %broadcast_in_dim3A_242 : vector<16x1xi32> to vector<16xi32>
          %gather3A_244 = tpu.dynamic_gather %get3A_234[%gather3A_243] in [0] : vector<16xf32>, vector<16xi32> -> vector<16xf32>
          %get3A_245 = arith.index_cast %min3A : i32 to index
          %get3A_246 = tpu.vector_load %arg14[%get3A_245] {strides = array<i32>} : memref<5024xf32, #tpu.memory_space<vmem>>, vector<16xf32>,
          %lt3A_247 = arith.constant 0 : i32
          %lt3A_248 = vector.broadcast %lt3A_247 : i32 to vector<16xi32>
          %lt3A_249 = arith.cmpi slt, %broadcast_in_dim3A_23, %lt3A_248 : vector<16xi32>
          %add3A_250 = arith.constant 16 : i32
          %add3A_251 = vector.broadcast %add3A_250 : i32 to vector<16xi32>
          %add3A_252 = arith.addi %broadcast_in_dim3A_23, %add3A_251 : vector<16xi32>
          %select_n3A_253 = arith.select %lt3A_249, %add3A_252, %broadcast_in_dim3A_23 : vector<16xi1>, vector<16xi32>
          %broadcast_in_dim3A_254 = vector.shape_cast %select_n3A_253 : vector<16xi32> to vector<16x1xi32>
          %gather3A_255 = vector.shape_cast %broadcast_in_dim3A_254 : vector<16x1xi32> to vector<16xi32>
          %gather3A_256 = tpu.dynamic_gather %get3A_246[%gather3A_255] in [0] : vector<16xf32>, vector<16xi32> -> vector<16xf32>
          %get3A_257 = arith.index_cast %min3A : i32 to index
          %get3A_258 = tpu.vector_load %arg15[%get3A_257] {strides = array<i32>} : memref<5024xi32, #tpu.memory_space<vmem>>, vector<16xi32>,
          tpu.vector_store_idx %arg4[%get3A_258], %gather3A_196 masked %eq3A_21 : memref<5024xf32, #tpu.memory_space<vmem>>[vector<16xi32>], vector<16xf32>, vector<16xi1>
          tpu.vector_store_idx %arg5[%get3A_258], %gather3A_208 masked %eq3A_21 : memref<5024xf32, #tpu.memory_space<vmem>>[vector<16xi32>], vector<16xf32>, vector<16xi1>
          tpu.vector_store_idx %arg6[%get3A_258], %gather3A_220 masked %eq3A_21 : memref<5024xf32, #tpu.memory_space<vmem>>[vector<16xi32>], vector<16xf32>, vector<16xi1>
          tpu.vector_store_idx %arg7[%get3A_258], %gather3A_232 masked %eq3A_21 : memref<5024xf32, #tpu.memory_space<vmem>>[vector<16xi32>], vector<16xf32>, vector<16xi1>
          tpu.vector_store_idx %arg8[%get3A_258], %gather3A_244 masked %eq3A_21 : memref<5024xf32, #tpu.memory_space<vmem>>[vector<16xi32>], vector<16xf32>, vector<16xi1>
          %get3A_259 = arith.index_cast %min3A : i32 to index
          %get3A_260 = tpu.vector_load %arg16[%get3A_259] {strides = array<i32>} : memref<5024xi32, #tpu.memory_space<vmem>>, vector<16xi32>,
          tpu.vector_store_idx %arg9[%get3A_260], %broadcast_in_dim3A_19 masked %eq3A_21 : memref<5024xf32, #tpu.memory_space<vmem>>[vector<16xi32>], vector<16xf32>, vector<16xi1>
          %jit3A_261 = arith.constant 0 : i32
          %select_n3A_262 = arith.select %gt3A_186, %select_n3A_134, %jit3A_261 : i32
          %broadcast_in_dim3A_263 = arith.constant 0 : i32
          %broadcast_in_dim3A_264 = vector.broadcast %broadcast_in_dim3A_263 : i32 to vector<16xi32>
          %parallel_loop3A_265 = arith.constant 0 : i32
          %parallel_loop3A_266 = arith.constant 1 : i32
          %parallel_loop3A_267:2 = scf.for %parallel_loop3A_291 = %parallel_loop3A_265 to %select_n3A_262 step %parallel_loop3A_266 iter_args(%parallel_loop3A_292 = %broadcast_in_dim3A_19, %parallel_loop3A_293 = %broadcast_in_dim3A_264) -> (vector<16xf32>, vector<16xi32>)  : i32 {
            %parallel_loop3A_294 = arith.constant 16 : i32
            %parallel_loop3A_295 = arith.muli %parallel_loop3A_291, %parallel_loop3A_294 : i32
            %parallel_loop3A_296 = arith.index_cast %parallel_loop3A_295 : i32 to index
            %parallel_loop3A_297 = tpu.vector_load %arg9[%parallel_loop3A_296] {strides = array<i32>} : memref<5024xf32, #tpu.memory_space<vmem>>, vector<16xf32>,
            %parallel_loop3A_298 = arith.index_cast %parallel_loop3A_295 : i32 to index
            %parallel_loop3A_299 = tpu.vector_load %arg10[%parallel_loop3A_298] {strides = array<i32>} : memref<5024xf32, #tpu.memory_space<vmem>>, vector<16xf32>,
            %parallel_loop3A_300 = arith.maximumf %gather3A_208, %parallel_loop3A_299 : vector<16xf32>
            %parallel_loop3A_301 = arith.index_cast %parallel_loop3A_295 : i32 to index
            %parallel_loop3A_302 = tpu.vector_load %arg11[%parallel_loop3A_301] {strides = array<i32>} : memref<5024xf32, #tpu.memory_space<vmem>>, vector<16xf32>,
            %parallel_loop3A_303 = arith.maximumf %gather3A_220, %parallel_loop3A_302 : vector<16xf32>
            %parallel_loop3A_304 = arith.index_cast %parallel_loop3A_295 : i32 to index
            %parallel_loop3A_305 = tpu.vector_load %arg12[%parallel_loop3A_304] {strides = array<i32>} : memref<5024xf32, #tpu.memory_space<vmem>>, vector<16xf32>,
            %parallel_loop3A_306 = arith.minimumf %gather3A_232, %parallel_loop3A_305 : vector<16xf32>
            %parallel_loop3A_307 = arith.index_cast %parallel_loop3A_295 : i32 to index
            %parallel_loop3A_308 = tpu.vector_load %arg13[%parallel_loop3A_307] {strides = array<i32>} : memref<5024xf32, #tpu.memory_space<vmem>>, vector<16xf32>,
            %parallel_loop3A_309 = arith.minimumf %gather3A_244, %parallel_loop3A_308 : vector<16xf32>
            %parallel_loop3A_310 = arith.subf %parallel_loop3A_306, %parallel_loop3A_300 : vector<16xf32>
            %parallel_loop3A_311 = arith.constant 0.000000e+00 : f32
            %parallel_loop3A_312 = vector.broadcast %parallel_loop3A_311 : f32 to vector<16xf32>
            %parallel_loop3A_313 = arith.maximumf %parallel_loop3A_310, %parallel_loop3A_312 : vector<16xf32>
            %parallel_loop3A_314 = arith.subf %parallel_loop3A_309, %parallel_loop3A_303 : vector<16xf32>
            %parallel_loop3A_315 = arith.constant 0.000000e+00 : f32
            %parallel_loop3A_316 = vector.broadcast %parallel_loop3A_315 : f32 to vector<16xf32>
            %parallel_loop3A_317 = arith.maximumf %parallel_loop3A_314, %parallel_loop3A_316 : vector<16xf32>
            %parallel_loop3A_318 = arith.mulf %parallel_loop3A_313, %parallel_loop3A_317 : vector<16xf32>
            %parallel_loop3A_319 = arith.index_cast %parallel_loop3A_295 : i32 to index
            %parallel_loop3A_320 = tpu.vector_load %arg14[%parallel_loop3A_319] {strides = array<i32>} : memref<5024xf32, #tpu.memory_space<vmem>>, vector<16xf32>,
            %parallel_loop3A_321 = arith.addf %gather3A_256, %parallel_loop3A_320 : vector<16xf32>
            %parallel_loop3A_322 = arith.subf %parallel_loop3A_321, %parallel_loop3A_318 : vector<16xf32>
            %parallel_loop3A_323 = arith.constant 9.99999993E-9 : f32
            %parallel_loop3A_324 = vector.broadcast %parallel_loop3A_323 : f32 to vector<16xf32>
            %parallel_loop3A_325 = arith.addf %parallel_loop3A_322, %parallel_loop3A_324 : vector<16xf32>
            %parallel_loop3A_326 = arith.divf %parallel_loop3A_318, %parallel_loop3A_325 : vector<16xf32>
            %parallel_loop3A_327 = arith.constant 3.000000e-01 : f32
            %parallel_loop3A_328 = vector.broadcast %parallel_loop3A_327 : f32 to vector<16xf32>
            %parallel_loop3A_329 = arith.cmpf ogt, %parallel_loop3A_326, %parallel_loop3A_328 : vector<16xf32>
            %parallel_loop3A_330 = arith.constant -3.000000e+38 : f32
            %parallel_loop3A_331 = vector.broadcast %parallel_loop3A_330 : f32 to vector<16xf32>
            %parallel_loop3A_332 = arith.select %parallel_loop3A_329, %parallel_loop3A_331, %parallel_loop3A_297 : vector<16xi1>, vector<16xf32>
            %parallel_loop3A_333 = arith.index_cast %parallel_loop3A_295 : i32 to index
            %parallel_loop3A_334 = tpu.vector_load %arg9[%parallel_loop3A_333] {strides = array<i32>} : memref<5024xf32, #tpu.memory_space<vmem>>, vector<16xf32>,
            tpu.vector_store %arg9[%parallel_loop3A_333], %parallel_loop3A_332 {strides = array<i32>} : memref<5024xf32, #tpu.memory_space<vmem>>, vector<16xf32>,
            %parallel_loop3A_335 = arith.cmpf ogt, %parallel_loop3A_332, %parallel_loop3A_292 : vector<16xf32>
            %parallel_loop3A_336 = arith.select %parallel_loop3A_335, %parallel_loop3A_332, %parallel_loop3A_292 : vector<16xi1>, vector<16xf32>
            %parallel_loop3A_337 = arith.constant 16 : i32
            %parallel_loop3A_338 = arith.muli %parallel_loop3A_291, %parallel_loop3A_337 : i32
            %parallel_loop3A_339 = vector.broadcast %parallel_loop3A_338 : i32 to vector<16xi32>
            %parallel_loop3A_340 = arith.addi %parallel_loop3A_339, %iota3A : vector<16xi32>
            %parallel_loop3A_341 = arith.select %parallel_loop3A_335, %parallel_loop3A_340, %parallel_loop3A_293 : vector<16xi1>, vector<16xi32>
            scf.yield %parallel_loop3A_336, %parallel_loop3A_341 : vector<16xf32>, vector<16xi32>
          } {sc.loop_unroll_factor = 4 : i64, sc.parallel_access}
          %reduce_max3A_268 = arith.constant true
          %reduce_max3A_269 = vector.broadcast %reduce_max3A_268 : i1 to vector<16xi1>
          %reduce_max3A_270 = tpu.scan <max>, %parallel_loop3A_267#0 masked %reduce_max3A_269 : vector<16xf32>, vector<16xi1> -> vector<16xf32>
          %reduce_max3A_271 = vector.extract %reduce_max3A_270[15] : f32 from vector<16xf32>
          %eq3A_272 = vector.broadcast %reduce_max3A_271 : f32 to vector<16xf32>
          %eq3A_273 = arith.cmpf oeq, %parallel_loop3A_267#0, %eq3A_272 : vector<16xf32>
          %jit3A_274 = arith.constant 1073741824 : i32
          %broadcast_in_dim3A_275 = vector.broadcast %jit3A_274 : i32 to vector<16xi32>
          %select_n3A_276 = arith.select %eq3A_273, %parallel_loop3A_267#1, %broadcast_in_dim3A_275 : vector<16xi1>, vector<16xi32>
          %reduce_min3A_277 = arith.constant true
          %reduce_min3A_278 = vector.broadcast %reduce_min3A_277 : i1 to vector<16xi1>
          %reduce_min3A_279 = arith.constant -2147483648 : i32
          %reduce_min3A_280 = vector.broadcast %reduce_min3A_279 : i32 to vector<16xi32>
          %reduce_min3A_281 = arith.xori %select_n3A_276, %reduce_min3A_280 : vector<16xi32>
          %reduce_min3A_282 = tpu.scan <min>, %reduce_min3A_281 masked %reduce_min3A_278 : vector<16xi32>, vector<16xi1> -> vector<16xi32>
          %reduce_min3A_283 = arith.xori %reduce_min3A_282, %reduce_min3A_280 : vector<16xi32>
          %reduce_min3A_284 = vector.extract %reduce_min3A_283[15] : i32 from vector<16xi32>
          %gt3A_285 = arith.constant 0.000000e+00 : f32
          %gt3A_286 = arith.cmpf ogt, %reduce_max3A_271, %gt3A_285 : f32
          %jit3A_287 = arith.constant 1073741824 : i32
          %select_n3A_288 = arith.select %gt3A_286, %reduce_min3A_284, %jit3A_287 : i32
          %select_n3A_289 = arith.select %gt3A_186, %reduce_max3A_271, %scan3A_183 : f32
          %select_n3A_290 = arith.select %gt3A_186, %select_n3A_288, %scan3A_184 : i32
          scf.yield %select_n3A_289, %select_n3A_290 : f32, i32
        }
        %scan3A_162 = arith.constant 24 : i32
        %while3A_163 = arith.constant 0 : i32
        %while3A_164 = arith.constant 0 : i32
        %while3A_165 = arith.subi %select_n3A_134, %while3A_163 : i32
        %while3A_166 = arith.addi %while3A_163, %while3A_165 : i32
        %while3A_167 = arith.constant 1 : i32
        %while3A_168 = arith.divsi %while3A_165, %while3A_167 : i32
        %while3A_169 = arith.muli %while3A_168, %while3A_167 : i32
        %while3A_170 = arith.addi %while3A_163, %while3A_169 : i32
        %while3A_171 = arith.constant 1 : i32
        %while3A_172 = scf.for %while3A_182 = %while3A_163 to %while3A_170 step %while3A_171 iter_args(%while3A_183 = %while3A_164) -> (i32)  : i32 {
          %mul3A_184 = arith.constant 16 : i32
          %mul3A_185 = arith.muli %while3A_182, %mul3A_184 : i32
          %get3A = arith.index_cast %mul3A_185 : i32 to index
          %get3A_186 = tpu.vector_load %arg9[%get3A] {strides = array<i32>} : memref<5024xf32, #tpu.memory_space<vmem>>, vector<16xf32>,
          %gt3A_187 = arith.constant 0.000000e+00 : f32
          %gt3A_188 = vector.broadcast %gt3A_187 : f32 to vector<16xf32>
          %gt3A_189 = arith.cmpf ogt, %get3A_186, %gt3A_188 : vector<16xf32>
          %get3A_190 = arith.index_cast %mul3A_185 : i32 to index
          %get3A_191 = tpu.vector_load %arg10[%get3A_190] {strides = array<i32>} : memref<5024xf32, #tpu.memory_space<vmem>>, vector<16xf32>,
          %get3A_192 = arith.index_cast %mul3A_185 : i32 to index
          %get3A_193 = tpu.vector_load %arg11[%get3A_192] {strides = array<i32>} : memref<5024xf32, #tpu.memory_space<vmem>>, vector<16xf32>,
          %get3A_194 = arith.index_cast %mul3A_185 : i32 to index
          %get3A_195 = tpu.vector_load %arg12[%get3A_194] {strides = array<i32>} : memref<5024xf32, #tpu.memory_space<vmem>>, vector<16xf32>,
          %get3A_196 = arith.index_cast %mul3A_185 : i32 to index
          %get3A_197 = tpu.vector_load %arg13[%get3A_196] {strides = array<i32>} : memref<5024xf32, #tpu.memory_space<vmem>>, vector<16xf32>,
          %get3A_198 = arith.index_cast %mul3A_185 : i32 to index
          %get3A_199 = tpu.vector_load %arg14[%get3A_198] {strides = array<i32>} : memref<5024xf32, #tpu.memory_space<vmem>>, vector<16xf32>,
          %get3A_200 = arith.index_cast %mul3A_185 : i32 to index
          %get3A_201 = tpu.vector_load %arg15[%get3A_200] {strides = array<i32>} : memref<5024xi32, #tpu.memory_space<vmem>>, vector<16xi32>,
          %convert_element_type3A_202 = arith.extui %gt3A_189 : vector<16xi1> to vector<16xi32>
          %broadcast_in_dim3A_203 = arith.constant true
          %broadcast_in_dim3A_204 = vector.broadcast %broadcast_in_dim3A_203 : i1 to vector<16xi1>
          %masked_cumsum3A = tpu.scan <sum>, %convert_element_type3A_202 masked %broadcast_in_dim3A_204 : vector<16xi32>, vector<16xi1> -> vector<16xi32>
          %add3A_205 = vector.broadcast %while3A_183 : i32 to vector<16xi32>
          %add3A_206 = arith.addi %add3A_205, %masked_cumsum3A : vector<16xi32>
          %sub3A_207 = arith.constant 1 : i32
          %sub3A_208 = vector.broadcast %sub3A_207 : i32 to vector<16xi32>
          %sub3A_209 = arith.subi %add3A_206, %sub3A_208 : vector<16xi32>
          tpu.vector_store_idx %arg9[%sub3A_209], %get3A_186 masked %gt3A_189 : memref<5024xf32, #tpu.memory_space<vmem>>[vector<16xi32>], vector<16xf32>, vector<16xi1>
          tpu.vector_store_idx %arg10[%sub3A_209], %get3A_191 masked %gt3A_189 : memref<5024xf32, #tpu.memory_space<vmem>>[vector<16xi32>], vector<16xf32>, vector<16xi1>
          tpu.vector_store_idx %arg11[%sub3A_209], %get3A_193 masked %gt3A_189 : memref<5024xf32, #tpu.memory_space<vmem>>[vector<16xi32>], vector<16xf32>, vector<16xi1>
          tpu.vector_store_idx %arg12[%sub3A_209], %get3A_195 masked %gt3A_189 : memref<5024xf32, #tpu.memory_space<vmem>>[vector<16xi32>], vector<16xf32>, vector<16xi1>
          tpu.vector_store_idx %arg13[%sub3A_209], %get3A_197 masked %gt3A_189 : memref<5024xf32, #tpu.memory_space<vmem>>[vector<16xi32>], vector<16xf32>, vector<16xi1>
          tpu.vector_store_idx %arg14[%sub3A_209], %get3A_199 masked %gt3A_189 : memref<5024xf32, #tpu.memory_space<vmem>>[vector<16xi32>], vector<16xf32>, vector<16xi1>
          tpu.vector_store_idx %arg15[%sub3A_209], %get3A_201 masked %gt3A_189 : memref<5024xi32, #tpu.memory_space<vmem>>[vector<16xi32>], vector<16xi32>, vector<16xi1>
          %slice3A = vector.extract_strided_slice %masked_cumsum3A {offsets = [15], sizes = [1], strides = [1]} : vector<16xi32> to vector<1xi32>
          %squeeze3A = vector.extract %slice3A[0] : i32 from vector<1xi32>
          %add3A_210 = arith.addi %while3A_183, %squeeze3A : i32
          scf.yield %add3A_210 : i32
        }
        %while3A_173 = arith.constant 1 : i32
        %while3A_174 = scf.for %while3A_182 = %while3A_170 to %while3A_166 step %while3A_173 iter_args(%while3A_183 = %while3A_172) -> (i32)  : i32 {
          %mul3A_184 = arith.constant 16 : i32
          %mul3A_185 = arith.muli %while3A_182, %mul3A_184 : i32
          %get3A = arith.index_cast %mul3A_185 : i32 to index
          %get3A_186 = tpu.vector_load %arg9[%get3A] {strides = array<i32>} : memref<5024xf32, #tpu.memory_space<vmem>>, vector<16xf32>,
          %gt3A_187 = arith.constant 0.000000e+00 : f32
          %gt3A_188 = vector.broadcast %gt3A_187 : f32 to vector<16xf32>
          %gt3A_189 = arith.cmpf ogt, %get3A_186, %gt3A_188 : vector<16xf32>
          %get3A_190 = arith.index_cast %mul3A_185 : i32 to index
          %get3A_191 = tpu.vector_load %arg10[%get3A_190] {strides = array<i32>} : memref<5024xf32, #tpu.memory_space<vmem>>, vector<16xf32>,
          %get3A_192 = arith.index_cast %mul3A_185 : i32 to index
          %get3A_193 = tpu.vector_load %arg11[%get3A_192] {strides = array<i32>} : memref<5024xf32, #tpu.memory_space<vmem>>, vector<16xf32>,
          %get3A_194 = arith.index_cast %mul3A_185 : i32 to index
          %get3A_195 = tpu.vector_load %arg12[%get3A_194] {strides = array<i32>} : memref<5024xf32, #tpu.memory_space<vmem>>, vector<16xf32>,
          %get3A_196 = arith.index_cast %mul3A_185 : i32 to index
          %get3A_197 = tpu.vector_load %arg13[%get3A_196] {strides = array<i32>} : memref<5024xf32, #tpu.memory_space<vmem>>, vector<16xf32>,
          %get3A_198 = arith.index_cast %mul3A_185 : i32 to index
          %get3A_199 = tpu.vector_load %arg14[%get3A_198] {strides = array<i32>} : memref<5024xf32, #tpu.memory_space<vmem>>, vector<16xf32>,
          %get3A_200 = arith.index_cast %mul3A_185 : i32 to index
          %get3A_201 = tpu.vector_load %arg15[%get3A_200] {strides = array<i32>} : memref<5024xi32, #tpu.memory_space<vmem>>, vector<16xi32>,
          %convert_element_type3A_202 = arith.extui %gt3A_189 : vector<16xi1> to vector<16xi32>
          %broadcast_in_dim3A_203 = arith.constant true
          %broadcast_in_dim3A_204 = vector.broadcast %broadcast_in_dim3A_203 : i1 to vector<16xi1>
          %masked_cumsum3A = tpu.scan <sum>, %convert_element_type3A_202 masked %broadcast_in_dim3A_204 : vector<16xi32>, vector<16xi1> -> vector<16xi32>
          %add3A_205 = vector.broadcast %while3A_183 : i32 to vector<16xi32>
          %add3A_206 = arith.addi %add3A_205, %masked_cumsum3A : vector<16xi32>
          %sub3A_207 = arith.constant 1 : i32
          %sub3A_208 = vector.broadcast %sub3A_207 : i32 to vector<16xi32>
          %sub3A_209 = arith.subi %add3A_206, %sub3A_208 : vector<16xi32>
          tpu.vector_store_idx %arg9[%sub3A_209], %get3A_186 masked %gt3A_189 : memref<5024xf32, #tpu.memory_space<vmem>>[vector<16xi32>], vector<16xf32>, vector<16xi1>
          tpu.vector_store_idx %arg10[%sub3A_209], %get3A_191 masked %gt3A_189 : memref<5024xf32, #tpu.memory_space<vmem>>[vector<16xi32>], vector<16xf32>, vector<16xi1>
          tpu.vector_store_idx %arg11[%sub3A_209], %get3A_193 masked %gt3A_189 : memref<5024xf32, #tpu.memory_space<vmem>>[vector<16xi32>], vector<16xf32>, vector<16xi1>
          tpu.vector_store_idx %arg12[%sub3A_209], %get3A_195 masked %gt3A_189 : memref<5024xf32, #tpu.memory_space<vmem>>[vector<16xi32>], vector<16xf32>, vector<16xi1>
          tpu.vector_store_idx %arg13[%sub3A_209], %get3A_197 masked %gt3A_189 : memref<5024xf32, #tpu.memory_space<vmem>>[vector<16xi32>], vector<16xf32>, vector<16xi1>
          tpu.vector_store_idx %arg14[%sub3A_209], %get3A_199 masked %gt3A_189 : memref<5024xf32, #tpu.memory_space<vmem>>[vector<16xi32>], vector<16xf32>, vector<16xi1>
          tpu.vector_store_idx %arg15[%sub3A_209], %get3A_201 masked %gt3A_189 : memref<5024xi32, #tpu.memory_space<vmem>>[vector<16xi32>], vector<16xi32>, vector<16xi1>
          %slice3A = vector.extract_strided_slice %masked_cumsum3A {offsets = [15], sizes = [1], strides = [1]} : vector<16xi32> to vector<1xi32>
          %squeeze3A = vector.extract %slice3A[0] : i32 from vector<1xi32>
          %add3A_210 = arith.addi %while3A_183, %squeeze3A : i32
          scf.yield %add3A_210 : i32
        }
        %swap3A_175 = arith.index_cast %while3A_174 : i32 to index
        %swap3A_176 = tpu.vector_load %arg9[%swap3A_175] {strides = array<i32>} : memref<5024xf32, #tpu.memory_space<vmem>>, vector<16xf32>,
        tpu.vector_store %arg9[%swap3A_175], %broadcast_in_dim3A_19 {strides = array<i32>} : memref<5024xf32, #tpu.memory_space<vmem>>, vector<16xf32>,
        %add3A_177 = arith.constant 5008 : i32
        %add3A_178 = vector.broadcast %add3A_177 : i32 to vector<16xi32>
        %add3A_179 = arith.addi %broadcast_in_dim3A_23, %add3A_178 : vector<16xi32>
        %swap3A_180 = arith.index_cast %while3A_174 : i32 to index
        %swap3A_181 = tpu.vector_load %arg15[%swap3A_180] {strides = array<i32>} : memref<5024xi32, #tpu.memory_space<vmem>>, vector<16xi32>,
        tpu.vector_store %arg15[%swap3A_180], %add3A_179 {strides = array<i32>} : memref<5024xi32, #tpu.memory_space<vmem>>, vector<16xi32>,
        scf.yield %while3A_174 : i32
      }
      %mul3A_93 = arith.constant 5 : i32
      %mul3A_94 = arith.muli %add3A, %mul3A_93 : i32
      %mul3A_95 = arith.constant 5008 : i32
      %mul3A_96 = arith.muli %mul3A_94, %mul3A_95 : i32
      %add3A_97 = arith.constant 0 : i32
      %add3A_98 = arith.addi %mul3A_96, %add3A_97 : i32
      "tpu.region"() ({
        %run_scoped3A = tpu.sem_alloc : memref<!tpu.dma_semaphore, #tpu.memory_space<semaphore_mem>>
        %dma_start3A = arith.constant 0 : i32
        %dma_start3A_107 = tpu.memref_slice %arg5[%dma_start3A] : memref<5024xf32, #tpu.memory_space<vmem>> -> memref<5008xf32, #tpu.memory_space<vmem>>
        %dma_start3A_108 = tpu.memref_slice %arg3[%add3A_98] : memref<500800xf32, #tpu.memory_space<hbm>> -> memref<5008xf32, #tpu.memory_space<hbm>>
        %dma_start3A_109 = tpu.memref_slice %arg3[%add3A_98] : memref<500800xf32, #tpu.memory_space<hbm>> -> memref<5008xf32, #tpu.memory_space<hbm>>
        %dma_start3A_110 = arith.constant 0 : i32
        %dma_start3A_111 = tpu.memref_slice %arg5[%dma_start3A_110] : memref<5024xf32, #tpu.memory_space<vmem>> -> memref<5008xf32, #tpu.memory_space<vmem>>
        tpu.enqueue_dma source(%dma_start3A_111 : memref<5008xf32, #tpu.memory_space<vmem>>) target(%dma_start3A_109 : memref<5008xf32, #tpu.memory_space<hbm>>) target_semaphore(%run_scoped3A : memref<!tpu.dma_semaphore, #tpu.memory_space<semaphore_mem>>)
        %dma_wait3A = arith.constant 0 : i32
        %dma_wait3A_112 = tpu.memref_slice %arg5[%dma_wait3A] : memref<5024xf32, #tpu.memory_space<vmem>> -> memref<5008xf32, #tpu.memory_space<vmem>>
        %dma_wait3A_113 = tpu.memref_slice %arg3[%add3A_98] : memref<500800xf32, #tpu.memory_space<hbm>> -> memref<5008xf32, #tpu.memory_space<hbm>>
        %dma_wait3A_114 = tpu.memref_slice %arg3[%add3A_98] : memref<500800xf32, #tpu.memory_space<hbm>> -> memref<5008xf32, #tpu.memory_space<hbm>>
        %dma_wait3A_115 = arith.constant 0 : i32
        %dma_wait3A_116 = tpu.memref_slice %arg5[%dma_wait3A_115] : memref<5024xf32, #tpu.memory_space<vmem>> -> memref<5008xf32, #tpu.memory_space<vmem>>
        tpu.wait_dma2 semaphore(%run_scoped3A : memref<!tpu.dma_semaphore, #tpu.memory_space<semaphore_mem>>) src(%dma_wait3A_116 : memref<5008xf32, #tpu.memory_space<vmem>>) dst(%dma_wait3A_114 : memref<5008xf32, #tpu.memory_space<hbm>>)
        tpu.yield
      }) : () -> ()
      %add3A_99 = arith.constant 5008 : i32
      %add3A_100 = arith.addi %mul3A_96, %add3A_99 : i32
      "tpu.region"() ({
        %run_scoped3A = tpu.sem_alloc : memref<!tpu.dma_semaphore, #tpu.memory_space<semaphore_mem>>
        %dma_start3A = arith.constant 0 : i32
        %dma_start3A_107 = tpu.memref_slice %arg6[%dma_start3A] : memref<5024xf32, #tpu.memory_space<vmem>> -> memref<5008xf32, #tpu.memory_space<vmem>>
        %dma_start3A_108 = tpu.memref_slice %arg3[%add3A_100] : memref<500800xf32, #tpu.memory_space<hbm>> -> memref<5008xf32, #tpu.memory_space<hbm>>
        %dma_start3A_109 = tpu.memref_slice %arg3[%add3A_100] : memref<500800xf32, #tpu.memory_space<hbm>> -> memref<5008xf32, #tpu.memory_space<hbm>>
        %dma_start3A_110 = arith.constant 0 : i32
        %dma_start3A_111 = tpu.memref_slice %arg6[%dma_start3A_110] : memref<5024xf32, #tpu.memory_space<vmem>> -> memref<5008xf32, #tpu.memory_space<vmem>>
        tpu.enqueue_dma source(%dma_start3A_111 : memref<5008xf32, #tpu.memory_space<vmem>>) target(%dma_start3A_109 : memref<5008xf32, #tpu.memory_space<hbm>>) target_semaphore(%run_scoped3A : memref<!tpu.dma_semaphore, #tpu.memory_space<semaphore_mem>>)
        %dma_wait3A = arith.constant 0 : i32
        %dma_wait3A_112 = tpu.memref_slice %arg6[%dma_wait3A] : memref<5024xf32, #tpu.memory_space<vmem>> -> memref<5008xf32, #tpu.memory_space<vmem>>
        %dma_wait3A_113 = tpu.memref_slice %arg3[%add3A_100] : memref<500800xf32, #tpu.memory_space<hbm>> -> memref<5008xf32, #tpu.memory_space<hbm>>
        %dma_wait3A_114 = tpu.memref_slice %arg3[%add3A_100] : memref<500800xf32, #tpu.memory_space<hbm>> -> memref<5008xf32, #tpu.memory_space<hbm>>
        %dma_wait3A_115 = arith.constant 0 : i32
        %dma_wait3A_116 = tpu.memref_slice %arg6[%dma_wait3A_115] : memref<5024xf32, #tpu.memory_space<vmem>> -> memref<5008xf32, #tpu.memory_space<vmem>>
        tpu.wait_dma2 semaphore(%run_scoped3A : memref<!tpu.dma_semaphore, #tpu.memory_space<semaphore_mem>>) src(%dma_wait3A_116 : memref<5008xf32, #tpu.memory_space<vmem>>) dst(%dma_wait3A_114 : memref<5008xf32, #tpu.memory_space<hbm>>)
        tpu.yield
      }) : () -> ()
      %add3A_101 = arith.constant 10016 : i32
      %add3A_102 = arith.addi %mul3A_96, %add3A_101 : i32
      "tpu.region"() ({
        %run_scoped3A = tpu.sem_alloc : memref<!tpu.dma_semaphore, #tpu.memory_space<semaphore_mem>>
        %dma_start3A = arith.constant 0 : i32
        %dma_start3A_107 = tpu.memref_slice %arg7[%dma_start3A] : memref<5024xf32, #tpu.memory_space<vmem>> -> memref<5008xf32, #tpu.memory_space<vmem>>
        %dma_start3A_108 = tpu.memref_slice %arg3[%add3A_102] : memref<500800xf32, #tpu.memory_space<hbm>> -> memref<5008xf32, #tpu.memory_space<hbm>>
        %dma_start3A_109 = tpu.memref_slice %arg3[%add3A_102] : memref<500800xf32, #tpu.memory_space<hbm>> -> memref<5008xf32, #tpu.memory_space<hbm>>
        %dma_start3A_110 = arith.constant 0 : i32
        %dma_start3A_111 = tpu.memref_slice %arg7[%dma_start3A_110] : memref<5024xf32, #tpu.memory_space<vmem>> -> memref<5008xf32, #tpu.memory_space<vmem>>
        tpu.enqueue_dma source(%dma_start3A_111 : memref<5008xf32, #tpu.memory_space<vmem>>) target(%dma_start3A_109 : memref<5008xf32, #tpu.memory_space<hbm>>) target_semaphore(%run_scoped3A : memref<!tpu.dma_semaphore, #tpu.memory_space<semaphore_mem>>)
        %dma_wait3A = arith.constant 0 : i32
        %dma_wait3A_112 = tpu.memref_slice %arg7[%dma_wait3A] : memref<5024xf32, #tpu.memory_space<vmem>> -> memref<5008xf32, #tpu.memory_space<vmem>>
        %dma_wait3A_113 = tpu.memref_slice %arg3[%add3A_102] : memref<500800xf32, #tpu.memory_space<hbm>> -> memref<5008xf32, #tpu.memory_space<hbm>>
        %dma_wait3A_114 = tpu.memref_slice %arg3[%add3A_102] : memref<500800xf32, #tpu.memory_space<hbm>> -> memref<5008xf32, #tpu.memory_space<hbm>>
        %dma_wait3A_115 = arith.constant 0 : i32
        %dma_wait3A_116 = tpu.memref_slice %arg7[%dma_wait3A_115] : memref<5024xf32, #tpu.memory_space<vmem>> -> memref<5008xf32, #tpu.memory_space<vmem>>
        tpu.wait_dma2 semaphore(%run_scoped3A : memref<!tpu.dma_semaphore, #tpu.memory_space<semaphore_mem>>) src(%dma_wait3A_116 : memref<5008xf32, #tpu.memory_space<vmem>>) dst(%dma_wait3A_114 : memref<5008xf32, #tpu.memory_space<hbm>>)
        tpu.yield
      }) : () -> ()
      %add3A_103 = arith.constant 15024 : i32
      %add3A_104 = arith.addi %mul3A_96, %add3A_103 : i32
      "tpu.region"() ({
        %run_scoped3A = tpu.sem_alloc : memref<!tpu.dma_semaphore, #tpu.memory_space<semaphore_mem>>
        %dma_start3A = arith.constant 0 : i32
        %dma_start3A_107 = tpu.memref_slice %arg8[%dma_start3A] : memref<5024xf32, #tpu.memory_space<vmem>> -> memref<5008xf32, #tpu.memory_space<vmem>>
        %dma_start3A_108 = tpu.memref_slice %arg3[%add3A_104] : memref<500800xf32, #tpu.memory_space<hbm>> -> memref<5008xf32, #tpu.memory_space<hbm>>
        %dma_start3A_109 = tpu.memref_slice %arg3[%add3A_104] : memref<500800xf32, #tpu.memory_space<hbm>> -> memref<5008xf32, #tpu.memory_space<hbm>>
        %dma_start3A_110 = arith.constant 0 : i32
        %dma_start3A_111 = tpu.memref_slice %arg8[%dma_start3A_110] : memref<5024xf32, #tpu.memory_space<vmem>> -> memref<5008xf32, #tpu.memory_space<vmem>>
        tpu.enqueue_dma source(%dma_start3A_111 : memref<5008xf32, #tpu.memory_space<vmem>>) target(%dma_start3A_109 : memref<5008xf32, #tpu.memory_space<hbm>>) target_semaphore(%run_scoped3A : memref<!tpu.dma_semaphore, #tpu.memory_space<semaphore_mem>>)
        %dma_wait3A = arith.constant 0 : i32
        %dma_wait3A_112 = tpu.memref_slice %arg8[%dma_wait3A] : memref<5024xf32, #tpu.memory_space<vmem>> -> memref<5008xf32, #tpu.memory_space<vmem>>
        %dma_wait3A_113 = tpu.memref_slice %arg3[%add3A_104] : memref<500800xf32, #tpu.memory_space<hbm>> -> memref<5008xf32, #tpu.memory_space<hbm>>
        %dma_wait3A_114 = tpu.memref_slice %arg3[%add3A_104] : memref<500800xf32, #tpu.memory_space<hbm>> -> memref<5008xf32, #tpu.memory_space<hbm>>
        %dma_wait3A_115 = arith.constant 0 : i32
        %dma_wait3A_116 = tpu.memref_slice %arg8[%dma_wait3A_115] : memref<5024xf32, #tpu.memory_space<vmem>> -> memref<5008xf32, #tpu.memory_space<vmem>>
        tpu.wait_dma2 semaphore(%run_scoped3A : memref<!tpu.dma_semaphore, #tpu.memory_space<semaphore_mem>>) src(%dma_wait3A_116 : memref<5008xf32, #tpu.memory_space<vmem>>) dst(%dma_wait3A_114 : memref<5008xf32, #tpu.memory_space<hbm>>)
        tpu.yield
      }) : () -> ()
      %add3A_105 = arith.constant 20032 : i32
      %add3A_106 = arith.addi %mul3A_96, %add3A_105 : i32
      "tpu.region"() ({
        %run_scoped3A = tpu.sem_alloc : memref<!tpu.dma_semaphore, #tpu.memory_space<semaphore_mem>>
        %dma_start3A = arith.constant 0 : i32
        %dma_start3A_107 = tpu.memref_slice %arg4[%dma_start3A] : memref<5024xf32, #tpu.memory_space<vmem>> -> memref<5008xf32, #tpu.memory_space<vmem>>
        %dma_start3A_108 = tpu.memref_slice %arg3[%add3A_106] : memref<500800xf32, #tpu.memory_space<hbm>> -> memref<5008xf32, #tpu.memory_space<hbm>>
        %dma_start3A_109 = tpu.memref_slice %arg3[%add3A_106] : memref<500800xf32, #tpu.memory_space<hbm>> -> memref<5008xf32, #tpu.memory_space<hbm>>
        %dma_start3A_110 = arith.constant 0 : i32
        %dma_start3A_111 = tpu.memref_slice %arg4[%dma_start3A_110] : memref<5024xf32, #tpu.memory_space<vmem>> -> memref<5008xf32, #tpu.memory_space<vmem>>
        tpu.enqueue_dma source(%dma_start3A_111 : memref<5008xf32, #tpu.memory_space<vmem>>) target(%dma_start3A_109 : memref<5008xf32, #tpu.memory_space<hbm>>) target_semaphore(%run_scoped3A : memref<!tpu.dma_semaphore, #tpu.memory_space<semaphore_mem>>)
        %dma_wait3A = arith.constant 0 : i32
        %dma_wait3A_112 = tpu.memref_slice %arg4[%dma_wait3A] : memref<5024xf32, #tpu.memory_space<vmem>> -> memref<5008xf32, #tpu.memory_space<vmem>>
        %dma_wait3A_113 = tpu.memref_slice %arg3[%add3A_106] : memref<500800xf32, #tpu.memory_space<hbm>> -> memref<5008xf32, #tpu.memory_space<hbm>>
        %dma_wait3A_114 = tpu.memref_slice %arg3[%add3A_106] : memref<500800xf32, #tpu.memory_space<hbm>> -> memref<5008xf32, #tpu.memory_space<hbm>>
        %dma_wait3A_115 = arith.constant 0 : i32
        %dma_wait3A_116 = tpu.memref_slice %arg4[%dma_wait3A_115] : memref<5024xf32, #tpu.memory_space<vmem>> -> memref<5008xf32, #tpu.memory_space<vmem>>
        tpu.wait_dma2 semaphore(%run_scoped3A : memref<!tpu.dma_semaphore, #tpu.memory_space<semaphore_mem>>) src(%dma_wait3A_116 : memref<5008xf32, #tpu.memory_space<vmem>>) dst(%dma_wait3A_114 : memref<5008xf32, #tpu.memory_space<hbm>>)
        tpu.yield
      }) : () -> ()
    } else {
    }
    return
  }
}

module attributes {stable_mosaic.version = 14 : i64} {
  func.func @_prep_body(%arg0: i32, %arg1: memref<8x5008xf32, #tpu.memory_space<vmem>>, %arg2: memref<1x4x5008xf32, #tpu.memory_space<vmem>>, %arg3: memref<24x5008xf32, #tpu.memory_space<vmem>>, %arg4: memref<1x8x5008xf32, #tpu.memory_space<vmem>>) attributes {dimension_semantics = [#tpu.dimension_semantics<arbitrary>], iteration_bounds = array<i64: 20>, scalar_prefetch = 0 : i64, scratch_operands = 0 : i64, tpu.core_type = #tpu.core_type<tc>, window_params = [{pipeline_mode = #tpu.pipeline_mode<synchronous>, transform_indices = @transform_0, window_bounds = array<i64: 8, 5008>}, {transform_indices = @transform_1, window_bounds = array<i64: 1, 4, 5008>}, {pipeline_mode = #tpu.pipeline_mode<synchronous>, transform_indices = @transform_2, window_bounds = array<i64: 24, 5008>}, {transform_indices = @transform_3, window_bounds = array<i64: 1, 8, 5008>}]} {
    %get3A = arith.constant 0 : index
    %get3A_0 = arith.constant 0 : index
    %get3A_1 = vector.load %arg1[%get3A, %get3A_0] : memref<8x5008xf32, #tpu.memory_space<vmem>>, vector<1x5008xf32>
    %get3A_2 = arith.constant 1 : index
    %get3A_3 = arith.constant 0 : index
    %get3A_4 = vector.load %arg1[%get3A_2, %get3A_3] : memref<8x5008xf32, #tpu.memory_space<vmem>>, vector<1x5008xf32>
    %get3A_5 = arith.constant 2 : index
    %get3A_6 = arith.constant 0 : index
    %get3A_7 = vector.load %arg1[%get3A_5, %get3A_6] : memref<8x5008xf32, #tpu.memory_space<vmem>>, vector<1x5008xf32>
    %get3A_8 = arith.constant 3 : index
    %get3A_9 = arith.constant 0 : index
    %get3A_10 = vector.load %arg1[%get3A_8, %get3A_9] : memref<8x5008xf32, #tpu.memory_space<vmem>>, vector<1x5008xf32>
    %sub3A = arith.subf %get3A_7, %get3A_1 : vector<1x5008xf32>
    %sub3A_11 = arith.subf %get3A_10, %get3A_4 : vector<1x5008xf32>
    %mul3A = arith.constant 5.000000e-01 : f32
    %mul3A_12 = vector.broadcast %mul3A : f32 to vector<1x5008xf32>
    %mul3A_13 = arith.mulf %mul3A_12, %sub3A : vector<1x5008xf32>
    %add3A = arith.addf %get3A_1, %mul3A_13 : vector<1x5008xf32>
    %mul3A_14 = arith.constant 5.000000e-01 : f32
    %mul3A_15 = vector.broadcast %mul3A_14 : f32 to vector<1x5008xf32>
    %mul3A_16 = arith.mulf %mul3A_15, %sub3A_11 : vector<1x5008xf32>
    %add3A_17 = arith.addf %get3A_4, %mul3A_16 : vector<1x5008xf32>
    %get3A_18 = arith.constant 0 : index
    %get3A_19 = arith.constant 0 : index
    %get3A_20 = arith.constant 0 : index
    %get3A_21 = vector.load %arg2[%get3A_18, %get3A_19, %get3A_20] : memref<1x4x5008xf32, #tpu.memory_space<vmem>>, vector<1x1x5008xf32>
    %get3A_22 = vector.shape_cast %get3A_21 : vector<1x1x5008xf32> to vector<1x5008xf32>
    %mul3A_23 = arith.constant 1.000000e-01 : f32
    %mul3A_24 = vector.broadcast %mul3A_23 : f32 to vector<1x5008xf32>
    %mul3A_25 = arith.mulf %get3A_22, %mul3A_24 : vector<1x5008xf32>
    %add3A_26 = arith.constant 0.000000e+00 : f32
    %add3A_27 = vector.broadcast %add3A_26 : f32 to vector<1x5008xf32>
    %add3A_28 = arith.addf %mul3A_25, %add3A_27 : vector<1x5008xf32>
    %get3A_29 = arith.constant 0 : index
    %get3A_30 = arith.constant 1 : index
    %get3A_31 = arith.constant 0 : index
    %get3A_32 = vector.load %arg2[%get3A_29, %get3A_30, %get3A_31] : memref<1x4x5008xf32, #tpu.memory_space<vmem>>, vector<1x1x5008xf32>
    %get3A_33 = vector.shape_cast %get3A_32 : vector<1x1x5008xf32> to vector<1x5008xf32>
    %mul3A_34 = arith.constant 1.000000e-01 : f32
    %mul3A_35 = vector.broadcast %mul3A_34 : f32 to vector<1x5008xf32>
    %mul3A_36 = arith.mulf %get3A_33, %mul3A_35 : vector<1x5008xf32>
    %add3A_37 = arith.constant 0.000000e+00 : f32
    %add3A_38 = vector.broadcast %add3A_37 : f32 to vector<1x5008xf32>
    %add3A_39 = arith.addf %mul3A_36, %add3A_38 : vector<1x5008xf32>
    %get3A_40 = arith.constant 0 : index
    %get3A_41 = arith.constant 2 : index
    %get3A_42 = arith.constant 0 : index
    %get3A_43 = vector.load %arg2[%get3A_40, %get3A_41, %get3A_42] : memref<1x4x5008xf32, #tpu.memory_space<vmem>>, vector<1x1x5008xf32>
    %get3A_44 = vector.shape_cast %get3A_43 : vector<1x1x5008xf32> to vector<1x5008xf32>
    %mul3A_45 = arith.constant 2.000000e-01 : f32
    %mul3A_46 = vector.broadcast %mul3A_45 : f32 to vector<1x5008xf32>
    %mul3A_47 = arith.mulf %get3A_44, %mul3A_46 : vector<1x5008xf32>
    %add3A_48 = arith.constant 0.000000e+00 : f32
    %add3A_49 = vector.broadcast %add3A_48 : f32 to vector<1x5008xf32>
    %add3A_50 = arith.addf %mul3A_47, %add3A_49 : vector<1x5008xf32>
    %get3A_51 = arith.constant 0 : index
    %get3A_52 = arith.constant 3 : index
    %get3A_53 = arith.constant 0 : index
    %get3A_54 = vector.load %arg2[%get3A_51, %get3A_52, %get3A_53] : memref<1x4x5008xf32, #tpu.memory_space<vmem>>, vector<1x1x5008xf32>
    %get3A_55 = vector.shape_cast %get3A_54 : vector<1x1x5008xf32> to vector<1x5008xf32>
    %mul3A_56 = arith.constant 2.000000e-01 : f32
    %mul3A_57 = vector.broadcast %mul3A_56 : f32 to vector<1x5008xf32>
    %mul3A_58 = arith.mulf %get3A_55, %mul3A_57 : vector<1x5008xf32>
    %add3A_59 = arith.constant 2.000000e-01 : f32
    %add3A_60 = vector.broadcast %add3A_59 : f32 to vector<1x5008xf32>
    %add3A_61 = arith.addf %mul3A_58, %add3A_60 : vector<1x5008xf32>
    %mul3A_62 = arith.mulf %add3A_28, %sub3A : vector<1x5008xf32>
    %add3A_63 = arith.addf %mul3A_62, %add3A : vector<1x5008xf32>
    %mul3A_64 = arith.mulf %add3A_39, %sub3A_11 : vector<1x5008xf32>
    %add3A_65 = arith.addf %mul3A_64, %add3A_17 : vector<1x5008xf32>
    %exp3A = math.exp %add3A_50 : vector<1x5008xf32>
    %mul3A_66 = arith.mulf %exp3A, %sub3A : vector<1x5008xf32>
    %exp3A_67 = math.exp %add3A_61 : vector<1x5008xf32>
    %mul3A_68 = arith.mulf %exp3A_67, %sub3A_11 : vector<1x5008xf32>
    %mul3A_69 = arith.constant 5.000000e-01 : f32
    %mul3A_70 = vector.broadcast %mul3A_69 : f32 to vector<1x5008xf32>
    %mul3A_71 = arith.mulf %mul3A_70, %mul3A_66 : vector<1x5008xf32>
    %sub3A_72 = arith.subf %add3A_63, %mul3A_71 : vector<1x5008xf32>
    %jit3A = arith.constant 0.000000e+00 : f32
    %jit3A_73 = arith.constant 6.000000e+02 : f32
    %max3A = vector.broadcast %jit3A : f32 to vector<1x5008xf32>
    %max3A_74 = arith.maximumf %max3A, %sub3A_72 : vector<1x5008xf32>
    %min3A = vector.broadcast %jit3A_73 : f32 to vector<1x5008xf32>
    %min3A_75 = arith.minimumf %min3A, %max3A_74 : vector<1x5008xf32>
    %mul3A_76 = arith.constant 5.000000e-01 : f32
    %mul3A_77 = vector.broadcast %mul3A_76 : f32 to vector<1x5008xf32>
    %mul3A_78 = arith.mulf %mul3A_77, %mul3A_68 : vector<1x5008xf32>
    %sub3A_79 = arith.subf %add3A_65, %mul3A_78 : vector<1x5008xf32>
    %jit3A_80 = arith.constant 0.000000e+00 : f32
    %jit3A_81 = arith.constant 8.000000e+02 : f32
    %max3A_82 = vector.broadcast %jit3A_80 : f32 to vector<1x5008xf32>
    %max3A_83 = arith.maximumf %max3A_82, %sub3A_79 : vector<1x5008xf32>
    %min3A_84 = vector.broadcast %jit3A_81 : f32 to vector<1x5008xf32>
    %min3A_85 = arith.minimumf %min3A_84, %max3A_83 : vector<1x5008xf32>
    %mul3A_86 = arith.constant 5.000000e-01 : f32
    %mul3A_87 = vector.broadcast %mul3A_86 : f32 to vector<1x5008xf32>
    %mul3A_88 = arith.mulf %mul3A_87, %mul3A_66 : vector<1x5008xf32>
    %add3A_89 = arith.addf %add3A_63, %mul3A_88 : vector<1x5008xf32>
    %jit3A_90 = arith.constant 0.000000e+00 : f32
    %jit3A_91 = arith.constant 6.000000e+02 : f32
    %max3A_92 = vector.broadcast %jit3A_90 : f32 to vector<1x5008xf32>
    %max3A_93 = arith.maximumf %max3A_92, %add3A_89 : vector<1x5008xf32>
    %min3A_94 = vector.broadcast %jit3A_91 : f32 to vector<1x5008xf32>
    %min3A_95 = arith.minimumf %min3A_94, %max3A_93 : vector<1x5008xf32>
    %mul3A_96 = arith.constant 5.000000e-01 : f32
    %mul3A_97 = vector.broadcast %mul3A_96 : f32 to vector<1x5008xf32>
    %mul3A_98 = arith.mulf %mul3A_97, %mul3A_68 : vector<1x5008xf32>
    %add3A_99 = arith.addf %add3A_65, %mul3A_98 : vector<1x5008xf32>
    %jit3A_100 = arith.constant 0.000000e+00 : f32
    %jit3A_101 = arith.constant 8.000000e+02 : f32
    %max3A_102 = vector.broadcast %jit3A_100 : f32 to vector<1x5008xf32>
    %max3A_103 = arith.maximumf %max3A_102, %add3A_99 : vector<1x5008xf32>
    %min3A_104 = vector.broadcast %jit3A_101 : f32 to vector<1x5008xf32>
    %min3A_105 = arith.minimumf %min3A_104, %max3A_103 : vector<1x5008xf32>
    %get3A_106 = arith.constant 0 : index
    %get3A_107 = arith.constant 0 : index
    %get3A_108 = vector.load %arg3[%get3A_106, %get3A_107] : memref<24x5008xf32, #tpu.memory_space<vmem>>, vector<24x5008xf32>
    %reduce_max3A = arith.constant dense<0xFF800000> : vector<5008xf32>
    %reduce_max3A_109 = vector.multi_reduction <maximumf>, %get3A_108, %reduce_max3A [0] : vector<24x5008xf32> to vector<5008xf32>
    %broadcast_in_dim3A = vector.shape_cast %reduce_max3A_109 : vector<5008xf32> to vector<1x5008xf32>
    %sub3A_110 = vector.broadcast %broadcast_in_dim3A : vector<1x5008xf32> to vector<24x5008xf32>
    %sub3A_111 = arith.subf %get3A_108, %sub3A_110 : vector<24x5008xf32>
    %exp3A_112 = math.exp %sub3A_111 : vector<24x5008xf32>
    %reduce_sum3A = arith.constant dense<0.000000e+00> : vector<5008xf32>
    %reduce_sum3A_113 = vector.multi_reduction <add>, %exp3A_112, %reduce_sum3A [0] : vector<24x5008xf32> to vector<5008xf32>
    %broadcast_in_dim3A_114 = vector.shape_cast %reduce_sum3A_113 : vector<5008xf32> to vector<1x5008xf32>
    %div3A = vector.broadcast %broadcast_in_dim3A_114 : vector<1x5008xf32> to vector<24x5008xf32>
    %div3A_115 = arith.divf %exp3A_112, %div3A : vector<24x5008xf32>
    %iota3A = tpu.iota {dimensions = array<i32: 0>} : vector<24x1xi32>
    %add3A_116 = arith.constant 1 : i32
    %add3A_117 = arith.addi %arg0, %add3A_116 : i32
    %eq3A = vector.broadcast %add3A_117 : i32 to vector<24x1xi32>
    %eq3A_118 = arith.cmpi eq, %iota3A, %eq3A : vector<24x1xi32>
    %convert_element_type3A = arith.extui %eq3A_118 : vector<24x1xi1> to vector<24x1xi32>
    %convert_element_type3A_119 = arith.sitofp %convert_element_type3A : vector<24x1xi32> to vector<24x1xf32>
    %mul3A_120 = vector.broadcast %convert_element_type3A_119 : vector<24x1xf32> to vector<24x5008xf32>
    %mul3A_121 = arith.mulf %div3A_115, %mul3A_120 : vector<24x5008xf32>
    %reduce_sum3A_122 = arith.constant dense<0.000000e+00> : vector<5008xf32>
    %reduce_sum3A_123 = vector.multi_reduction <add>, %mul3A_121, %reduce_sum3A_122 [0] : vector<24x5008xf32> to vector<5008xf32>
    %broadcast_in_dim3A_124 = vector.shape_cast %reduce_sum3A_123 : vector<5008xf32> to vector<1x5008xf32>
    %iota3A_125 = tpu.iota {dimensions = array<i32: 1>} : vector<1x5008xi32>
    %gt3A = arith.constant 5.000000e-02 : f32
    %gt3A_126 = vector.broadcast %gt3A : f32 to vector<1x5008xf32>
    %gt3A_127 = arith.cmpf ogt, %broadcast_in_dim3A_124, %gt3A_126 : vector<1x5008xf32>
    %lt3A = arith.constant 5000 : i32
    %lt3A_128 = vector.broadcast %lt3A : i32 to vector<1x5008xi32>
    %lt3A_129 = arith.cmpi slt, %iota3A_125, %lt3A_128 : vector<1x5008xi32>
    %and3A = arith.andi %gt3A_127, %lt3A_129 : vector<1x5008xi1>
    %jit3A_130 = arith.constant -3.000000e+38 : f32
    %broadcast_in_dim3A_131 = vector.broadcast %jit3A_130 : f32 to vector<1x5008xf32>
    %select_n3A = arith.select %and3A, %broadcast_in_dim3A_124, %broadcast_in_dim3A_131 : vector<1x5008xi1>, vector<1x5008xf32>
    %broadcast_in_dim3A_132 = arith.constant 0.000000e+00 : f32
    %broadcast_in_dim3A_133 = vector.broadcast %broadcast_in_dim3A_132 : f32 to vector<3x5008xf32>
    %concatenate3A = tpu.concatenate %select_n3A, %min3A_75, %min3A_85, %min3A_95, %min3A_105, %broadcast_in_dim3A_133 in 0 : vector<1x5008xf32>, vector<1x5008xf32>, vector<1x5008xf32>, vector<1x5008xf32>, vector<1x5008xf32>, vector<3x5008xf32> -> vector<8x5008xf32>
    %swap3A = arith.constant 0 : index
    %swap3A_134 = arith.constant 0 : index
    %swap3A_135 = arith.constant 0 : index
    %swap3A_136 = vector.load %arg4[%swap3A, %swap3A_134, %swap3A_135] : memref<1x8x5008xf32, #tpu.memory_space<vmem>>, vector<1x8x5008xf32>
    %swap3A_137 = vector.shape_cast %swap3A_136 : vector<1x8x5008xf32> to vector<8x5008xf32>
    %swap3A_138 = vector.shape_cast %concatenate3A : vector<8x5008xf32> to vector<1x8x5008xf32>
    tpu.vector_store %arg4[%swap3A, %swap3A_134, %swap3A_135], %swap3A_138 {strides = array<i32>} : memref<1x8x5008xf32, #tpu.memory_space<vmem>>, vector<1x8x5008xf32>,
    return
  }
  func.func @transform_0(%arg0: i32) -> (i32, i32) {
    %c0_i32 = arith.constant 0 : i32
    %c0_i32_0 = arith.constant 0 : i32
    %c0_i32_1 = arith.constant 0 : i32
    return %c0_i32, %c0_i32_0 : i32, i32
  }
  func.func @transform_1(%arg0: i32) -> (i32, i32, i32) {
    %add3A = arith.constant 1 : i32
    %add3A_0 = arith.addi %arg0, %add3A : i32
    %c0_i32 = arith.constant 0 : i32
    %c0_i32_1 = arith.constant 0 : i32
    %c0_i32_2 = arith.constant 0 : i32
    return %add3A_0, %c0_i32, %c0_i32_1 : i32, i32, i32
  }
  func.func @transform_2(%arg0: i32) -> (i32, i32) {
    %c0_i32 = arith.constant 0 : i32
    %c0_i32_0 = arith.constant 0 : i32
    %c0_i32_1 = arith.constant 0 : i32
    return %c0_i32, %c0_i32_0 : i32, i32
  }
  func.func @transform_3(%arg0: i32) -> (i32, i32, i32) {
    %c0_i32 = arith.constant 0 : i32
    %c0_i32_0 = arith.constant 0 : i32
    %c0_i32_1 = arith.constant 0 : i32
    return %arg0, %c0_i32, %c0_i32_0 : i32, i32, i32
  }
}

</mosaic_0001>

<sc_bundles>
// kernel: kernel.4.cloned.1.call-start
scs
__scs_entry_jumppad:
0x0: {  	(pc) =	sbr.rel $0x88, $3  }
0x1: {  	(tag) =	ssettag $0x0;
	lr =	simm.s32 $0x1  }
0x2: {  	[smem:$0x3F9E] =	sst lr;
	_ =	strace $0xD0000000  }
0x3: {  	_ = 	snop  }
0x4: {  	_ = 	snop  }
0x5: {  	_ = 	snop  }
0x6: {  	_ = 	snop  }
0x7: {  	_ = 	snop  }
__scs_overlays_trampoline_lowered:
0x8: {  	[smem:$0x3FAD] =	sst s0  }
0x9: {  	[smem:$0x3FAE] =	sst s1  }
0xa: {  	[smem:$0x3FAF] =	sst s2  }
0xb: {  	[smem:$0x3FB0] =	sst s3  }
0xc: {  	[smem:$0x3FB1] =	sst s4  }
0xd: {  	[smem:$0x3FB2] =	sst s5  }
0xe: {  	[smem:$0x3FB3] =	sst s6  }
0xf: {  	[smem:$0x3FB4] =	sst s7  }
0x10: {  	[smem:$0x3FB5] =	sst s8  }
0x11: {  	[smem:$0x3FB6] =	sst s9;
	s0 =	simm.s32 @!p0 $0x0  }
0x12: {  	s1 =	sld [smem:$0x3F9C];
	s0 =	simm.s32 @p0 $0x1  }
0x13: {  	[smem:$0x3FB7] =	sst s0;
	s0 =	simm.s32 @!p1 $0x0  }
0x14: {  	s2 =	sld [smem:$0x3F9B];
	s0 =	simm.s32 @p1 $0x1  }
0x15: {  	[smem:$0x3FB8] =	sst s0;
	s0 =	simm.s32 @!p2 $0x0  }
0x16: {  	s3 =	sld [smem:$0x3FDB];
	s0 =	simm.s32 @p2 $0x1  }
0x17: {  	s4 =	simm.s32 $0x1BF5;
	[smem:$0x3FBA] =	sst s0  }
0x18: {  	s0 =	sld [smem:$0x3F9D];
	_ =	swait.ge [sflag:s4], $0x0  }
0x19: {  	s7 =	sld [smem:$0x3F9E]  }
0x1a: {  	s8 =	sadd.s32 $0xFFFFE003, lr  }
0x1b: {  	s9 =	sadd.s32 $0xFFFFFEF7, lr;
	s5 =	simm.s32 $0xFFFFFFFF;
	p2 =	slt.u32 s8, $0xFFFFF086  }
0x1c: {  	p1 =	slt.u32 s9, $0xF7A;
	s5 =	simm.s32 @!p2 $0x0  }
0x1d: {  	s5 =	simm.s32 @p1 $0x1;
	p0 =	seq.s32 s7, s2  }
0x1e: {  	s7 =	smul.u32 @!p0 $0xF7A, s2;
	p2 =	seq.s32 @!p0 s5, $0x0  }
0x1f: {  	s9 =	smul.u32 $0xF7A, s1;
	s8 =	simm.s32 @!p0 $0x1BF5;
	p2 =	por !p2, p0  }
0x20: {  	[sflag:s8] =	ssyncset.s32 @!p0 $0xFFFFF086;
	s6 =	sadd.s32 @!p0 s3, s7;
	s7 =	simm.s32 @!p0 $0x108  }
0x21: {  	s3 =	sadd.s32 s3, s9;
	s6 =	sadd.s32 @!p0 $0x88, s6;
	s7 =	simm.s32 @p2 $0x1082  }
0x22: {  	[simem:s7], [sflag:s8] =	dma.local @!p0 [hbm:s6], $0xF7A  }
0x23: {  	s9 =	sor.u32 $0xD0000000, s2;
	s6 =	simm.s32 $0x108;
	_ =	swait.ge @!p0 [sflag:s8], $0x0  }
0x24: {  	s3 =	sadd.s32 $0x88, s3;
	s6 =	simm.s32 @!p1 $0x1082;
	[sflag:s4] =	ssyncset.s32 $0xFFFFF086  }
0x25: {  	[simem:s6], [sflag:s4] =	dma.local [hbm:s3], $0xF7A  }
0x26: {  	[smem:$0x3F9E] =	sst s1;
	(tag) =	ssettag s2;
	_ =	strace s9  }
0x27: {  	s1 =	sld [smem:$0x3FAE]  }
0x28: {  	s2 =	sld [smem:$0x3FAF]  }
0x29: {  	s4 =	sld [smem:$0x3FB1]  }
0x2a: {  	p0 =	seq.s32 s5, $0x0;
	s5 =	sld [smem:$0x3FB2]  }
0x2b: {  	s6 =	sld [smem:$0x3FB3]  }
0x2c: {  	s7 =	sld [smem:$0x3FB4]  }
0x2d: {  	s3 =	simm.s32 $0x108;
	s8 =	sld [smem:$0x3FB5]  }
0x2e: {  	s3 =	simm.s32 @!p0 $0x1082;
	s9 =	sld [smem:$0x3FB6]  }
0x2f: {  	lr =	sadd.s32 s0, s3;
	s0 =	sld [smem:$0x3FAD]  }
0x30: {  	s3 =	sld [smem:$0x3FB0]  }
0x31: {  	[smem:$0x3FB9] =	sst s10  }
0x32: {  	s10 =	sld [smem:$0x3FB7];
	_ =	sdelay $0x3  }
0x33: {  	p0 =	seq.s32 s10, $0x1;
	s10 =	sld [smem:$0x3FB9];
	_ =	sdelay $0x3  }
0x34: {  	[smem:$0x3FB9] =	sst s10  }
0x35: {  	s10 =	sld [smem:$0x3FB8];
	_ =	sdelay $0x3  }
0x36: {  	p1 =	seq.s32 s10, $0x1;
	s10 =	sld [smem:$0x3FB9];
	_ =	sdelay $0x3  }
0x37: {  	[smem:$0x3FB9] =	sst s10  }
0x38: {  	s10 =	sld [smem:$0x3FBA]  }
0x39: {  	_ = 	snop;
	(pc) =	sbr.ind lr, $3  }
0x3a: {  	_ = 	snop  }
0x3b: {  	_ = 	snop  }
0x3c: {  	p2 =	seq.s32 s10, $0x1;
	s10 =	sld [smem:$0x3FB9]  }
0x3d: {  	_ =	shalt  }
0x3e: {  	_ =	shalt  }
0x3f: {  	_ =	shalt  }
0x40: {  	_ =	shalt  }
0x41: {  	_ =	shalt  }
0x42: {  	_ =	shalt  }
0x43: {  	_ =	shalt  }
0x44: {  	_ =	shalt  }
0x45: {  	_ =	shalt  }
0x46: {  	_ =	shalt  }
0x47: {  	_ =	shalt  }
0x48: {  	_ =	shalt  }
0x49: {  	_ =	shalt  }
0x4a: {  	_ =	shalt  }
0x4b: {  	_ =	shalt  }
0x4c: {  	_ =	shalt  }
0x4d: {  	_ =	shalt  }
0x4e: {  	_ =	shalt  }
0x4f: {  	_ =	shalt  }
0x50: {  	_ =	shalt  }
0x51: {  	_ =	shalt  }
0x52: {  	_ =	shalt  }
0x53: {  	_ =	shalt  }
0x54: {  	_ =	shalt  }
0x55: {  	_ =	shalt  }
0x56: {  	_ =	shalt  }
0x57: {  	_ =	shalt  }
0x58: {  	_ =	shalt  }
0x59: {  	_ =	shalt  }
0x5a: {  	_ =	shalt  }
0x5b: {  	_ =	shalt  }
0x5c: {  	_ =	shalt  }
0x5d: {  	_ =	shalt  }
0x5e: {  	_ =	shalt  }
0x5f: {  	_ =	shalt  }
0x60: {  	_ =	shalt  }
0x61: {  	_ =	shalt  }
0x62: {  	_ =	shalt  }
0x63: {  	_ =	shalt  }
0x64: {  	_ =	shalt  }
0x65: {  	_ =	shalt  }
0x66: {  	_ =	shalt  }
0x67: {  	_ =	shalt  }
0x68: {  	_ =	shalt  }
0x69: {  	_ =	shalt  }
0x6a: {  	_ =	shalt  }
0x6b: {  	_ =	shalt  }
0x6c: {  	_ =	shalt  }
0x6d: {  	_ =	shalt  }
0x6e: {  	_ =	shalt  }
0x6f: {  	_ =	shalt  }
0x70: {  	_ =	shalt  }
0x71: {  	_ =	shalt  }
0x72: {  	_ =	shalt  }
0x73: {  	_ =	shalt  }
0x74: {  	_ =	shalt  }
0x75: {  	_ =	shalt  }
0x76: {  	_ =	shalt  }
0x77: {  	_ =	shalt  }
0x78: {  	_ =	shalt  }
0x79: {  	_ =	shalt  }
0x7a: {  	_ =	shalt  }
0x7b: {  	_ =	shalt  }
0x7c: {  	_ =	shalt  }
0x7d: {  	_ =	shalt  }
0x7e: {  	_ =	shalt  }
0x7f: {  	_ =	shalt  }
0x80: {  	_ =	shalt  }
0x81: {  	_ =	shalt  }
0x82: {  	_ =	shalt  }
0x83: {  	_ =	shalt  }
0x84: {  	_ =	shalt  }
0x85: {  	_ =	shalt  }
0x86: {  	_ =	shalt  }
0x87: {  	_ =	shalt  }
.Lfunc_end0:
.L_simem_size_0:
called_computation_lowered:
.L_overlay_start_0:
0x88: {  	s2 =	sld [smem:$0x3FD9]  }
0x89: {  	s3 =	sld [smem:$0x3FFE];
	_ =	sdelay $0x1  }
0x8a: {  	s1 =	srdreg.scid  }
0x8b: {  	s0 =	sand.u32 $0x1, s1  }
0x8c: {  	s17 =	sshll.u32 s0, $0xA;
	s2 =	sadd.s32 s3, s2  }
0x8d: {  	s2 =	sadd.s32 s2, s17  }
0x8e: {  	[smem:$0x3FC5] =	sst s2  }
0x8f: {  	_ = 	snop  }
0x90: {  	s2 =	sld [smem:$0x3FD0];
	(tm) =	ssettm $0x1  }
0x91: {  	s18 =	sld [smem:$0x3FFB];
	_ =	sdelay $0x3  }
0x92: {  	_ =	strace s18  }
0x93: {  	s3 =	sld [smem:$0x3FFC];
	_ =	sdelay $0x3  }
0x94: {  	_ =	strace s3  }
0x95: {  	s3 =	sld [smem:$0x3FFD];
	_ =	sdelay $0x3  }
0x96: {  	_ =	strace s3  }
0x97: {  	_ =	strace $0x8FFFFFFF  }
0x98: {  	s19 =	sld [smem:$0x3FDB];
	_ =	sdelay $0x1  }
0x99: {  	s4 =	simm.s32 $_scs_section_size  }
0x9a: {  	s5 =	simm.s32 $_size__tile_overlayer_lowered;
	s6 =	simm.s32 $_tile_overlayer_lowered  }
0x9b: {  	s22 =	simm.s32 $0x1BFF;
	s21 =	sshll.u32 s6, $0x1;
	s3 =	sadd.s32 s4, s19  }
0x9c: {  	s7 =	simm.s32 $0x0;
	s20 =	sshll.u32 s5, $0x1;
	s5 =	sadd.s32 s21, s3  }
0x9d: {  	[timem:s7], [sflag:s22] =	dma.local [hbm:s5], s20  }
0x9e: {  	_ =	swait.ge [sflag:s22], s20  }
0x9f: {  	s4 =	ssub.s32 $0x0, s20;
	[sflag:s22] =	ssyncset.done $0x0  }
0xa0: {  	[sflag:s22] =	ssyncadd.s32 s4;
	_ =	sdelay $0x1  }
0xa1: {  	s23 =	simm.s32 $0x1B8B  }
0xa2: {  	_ =	swait.ge [sflag:s23], $0x1  }
0xa3: {  	[sflag:s23] =	ssyncset.done $0x0  }
0xa4: {  	s25 =	simm.s32 $0x1B8E;
	s24 =	sld [smem:$0x3FFE];
	[sflag:s23] =	ssyncadd.s32 $0xFFFFFFFF  }
0xa5: {  	s26 =	simm.s32 $execute0_lowered;
	[smem:$0x3FD2] =	sst s25  }
0xa6: {  	s5 =	sshll.u32 s26, $0x1;
	_ =	strace $0x80000046;
	[dreg:$0x1] =	wrdreg $0xFFFFFFFF  }
0xa7: {  	s28 =	simm.s32 $_size_execute0_lowered;
	s3 =	sadd.s32 s3, s5;
	[dreg:$0x0] =	wrdreg $0x0  }
0xa8: {  	s5 =	sshll.u32 s28, $0x1;
	[dreg:$0x2] =	wrdreg s3  }
0xa9: {  	[dreg:$0x3] =	wrdreg s5  }
0xaa: {  	[dreg:$0x4] =	wrdreg $0xC0  }
0xab: {  	_ =	task [dreg:s7], $0x5FFFF  }
0xac: {  	[dreg:$0x1] =	wrdreg $0xFFFFFFFF  }
0xad: {  	[dreg:$0x0] =	wrdreg $0x60  }
0xae: {  	[dreg:$0x2] =	wrdreg s24  }
0xaf: {  	[dreg:$0x3] =	wrdreg s2  }
0xb0: {  	[dreg:$0x4] =	wrdreg $0x9  }
0xb1: {  	_ =	task.clear_ibuf [dreg:s7], $0x5FFFF;
	_ =	strace $0x90000046  }
0xb2: {  	s29 =	simm.s32 $0x9;
	_ =	strace $0x80000048  }
0xb3: {  	_ =	swait.ge [sflag:s29], $0x1  }
0xb4: {  	[sflag:s29] =	ssyncadd.s32 $0xFFFFFFFF  }
0xb5: {  	_ =	strace $0x90000048  }
0xb6: {  	_ =	sfence  }
0xb7: {  	s30 =	sld [smem:$0x0];
	_ =	sdelay $0x2  }
0xb8: {  	s31 =	sshll.u32 s1, $0xD;
	s1 =	sshrl.u32 s1, $0x2  }
0xb9: {  	s3 =	sand.u32 $0x4000, s31;
	s1 =	sadd.s32 s1, s30  }
0xba: {  	s0 =	sor.u32 s3, s0;
	s1 =	sshll.u32 s1, $0x11  }
0xbb: {  	s0 =	sor.u32 s1, s0  }
0xbc: {  	s0 =	sadd.s32 $0x8F2B, s0  }
0xbd: {  	[sflag:s0] =	ssyncadd.remote.s32 $0x1  }
0xbe: {  	_ =	sfence.sel $0xFFFF  }
0xbf: {  	[dreg:$0x0] =	wrdreg $0xFFFFFFFF;
	(pc) =	sbr.abs _section_cstart, $3  }
0xc0: {  	[dreg:$0x1] =	wrdreg $0xFFFFFFFF  }
0xc1: {  	_ =	task.clear_ibuf [dreg:s7], $0x2FFFF;
	_ =	strace $0x9FFFFFFF  }
0xc2: {  	(tm) =	ssettm $0x7FFFFFFF  }
0xc3: {  	_ =	shalt  }
tec
execute0_lowered:
.L_overlay_start_1:
0x0: {  	(tag) =	ssettag $0x1  }
0x1: {  	s3 =	stileid.u32  }
0x2: {  	p0 =	sgt.u32 s3, $0x9  }
.Ltmp0:
0x3: {  	_ = 	snop;
	(pc) =	sbr.rel @p0 .LBB2_38-.Ltmp0, $4  }
0x4: {  	_ = 	snop  }
0x5: {  	s1 =	rddreg [dreg:$0x0];
	s2 =	simm.s32 $0x0  }
0x6: {  	[smem:$0x7FF] =	sst s2  }
0x7: {  	s0 =	rddreg [dreg:$0x1];
	_ =	strace $0x80000047  }
0x8: {  	s3 =	srdreg.scid;
	s4 =	stileid.u32  }
0x9: {  	s3 =	sand.u32 $0x1, s3;
	s4 =	sshll.u32 s4, $0x1  }
0xa: {  	s4 =	sor.u32 s3, s4  }
0xb: {  	s5 =	smul.u32 $0x9C80, s4  }
0xc: {  	s4 =	smul.u32 $0x61D0, s4  }
0xd: {  	s1 =	sadd.s32 $0x800, s1;
	s15 =	simm.s32 $0x1400;
	s5 =	sshrl.u32 s5, $0x3  }
0xe: {  	s16 =	simm.s32 $0x2800;
	s21 =	sshrl.u32 s4, $0x3;
	s5 =	sadd.s32 s1, s5  }
0xf: {  	s17 =	simm.s32 $0x3C00;
	s23 =	sadd.s32 s0, s21;
	[dreg:$0x3] =	wrdreg s5  }
0x10: {  	s18 =	simm.s32 $0x5000;
	s1 =	sadd.s32 $0x272, s5;
	[dreg:$0x7] =	wrdreg s23  }
0x11: {  	s19 =	simm.s32 $0x6400;
	s20 =	sadd.s32 $0x4E4, s5;
	[dreg:$0x4] =	wrdreg s1  }
0x12: {  	s24 =	ssub.s32 $0x2, s3;
	s22 =	sadd.s32 $0x756, s5;
	[dreg:$0x5] =	wrdreg s20  }
0x13: {  	s3 =	simm.s32 $0x1;
	s25 =	sadd.s32 $0x9C8, s5;
	[dreg:$0x6] =	wrdreg s22  }
0x14: {  	s28 =	sshrl.u32 s24, $0x1;
	s26 =	sadd.s32 $0x272, s23;
	[dreg:$0x8] =	wrdreg s25  }
0x15: {  	s0 =	ssub.s32 s24, s28;
	s29 =	sadd.s32 $0x4E4, s23;
	[dreg:$0x9] =	wrdreg s26  }
.Ltmp1:
0x16: {  	s30 =	sadd.s32 $0x756, s23;
	[dreg:$0xa] =	wrdreg s29;
	(pc) =	sbr.rel .LBB2_2-.Ltmp1, $4  }
0x17: {  	s21 =	simm.s32 $0x8C00;
	s31 =	sadd.s32 $0x9C8, s23;
	[dreg:$0xb] =	wrdreg s30  }
0x18: {  	s24 =	simm.s32 $0xC800;
	s0 =	smax.u32 s0, $0x1;
	[dreg:$0xc] =	wrdreg s31  }
0x19: {  	v0 =	vlaneseq.u32;
	v1 =	vimm.s32 $0x0;
	v3 =	vimm.f32 $-3.000000010e+38;
	s23 =	simm.s32 $0xB400;
	[dreg:$0xd] =	wrdreg s0;
	s20 =	simm.s32 $0x7800  }
0x1a: {  	v4 =	vimm.s32 $0x1390;
	v5 =	vimm.f32 $0.0e+00;
	v2 =	vor.u32 $0x1380, v0;
	s22 =	simm.s32 $0xA000;
	s25 =	simm.s32 $0xDC00;
	s1 =	simm.s32 $0x0  }
.LBB2_37:
0x1b: {  	s0 =	rddreg [dreg:$0x7];
	s3 =	simm.s32 $0x1  }
0x1c: {  	[hbm4b:s0+s2] =	stream.linear.scatter [tilespmem:s15], [sflag:$0x1], $0x1390, $0x38;
	[tilespmem:$0x10400] =	vst v63  }
0x1d: {  	_ =	swait.ge [sflag:s3], $0x1390  }
0x1e: {  	[sflag:s3] =	ssyncset.done $0x0  }
0x1f: {  	s26 =	rddreg [dreg:$0x9];
	[sflag:s3] =	ssyncadd.s32 $0xFFFFEC70  }
0x20: {  	[hbm4b:s26+s2] =	stream.linear.scatter [tilespmem:s16], [sflag:$0x1], $0x1390, $0x38;
	[tilespmem:$0x10400] =	vst v63  }
0x21: {  	_ =	swait.ge [sflag:s3], $0x1390  }
0x22: {  	[sflag:s3] =	ssyncset.done $0x0  }
0x23: {  	s28 =	rddreg [dreg:$0xa];
	[sflag:s3] =	ssyncadd.s32 $0xFFFFEC70  }
0x24: {  	[hbm4b:s28+s2] =	stream.linear.scatter [tilespmem:s17], [sflag:$0x1], $0x1390, $0x38;
	[tilespmem:$0x10400] =	vst v63  }
0x25: {  	_ =	swait.ge [sflag:s3], $0x1390  }
0x26: {  	[sflag:s3] =	ssyncset.done $0x0  }
0x27: {  	s29 =	rddreg [dreg:$0xb];
	[sflag:s3] =	ssyncadd.s32 $0xFFFFEC70  }
0x28: {  	[hbm4b:s29+s2] =	stream.linear.scatter [tilespmem:s18], [sflag:$0x1], $0x1390, $0x38;
	[tilespmem:$0x10400] =	vst v63  }
0x29: {  	_ =	swait.ge [sflag:s3], $0x1390  }
0x2a: {  	[sflag:s3] =	ssyncset.done $0x0  }
0x2b: {  	s30 =	rddreg [dreg:$0xc];
	[sflag:s3] =	ssyncadd.s32 $0xFFFFEC70  }
0x2c: {  	[hbm4b:s30+s2] =	stream.linear.scatter [tilespmem:s2], [sflag:$0x1], $0x1390, $0x38;
	[tilespmem:$0x10400] =	vst v63  }
0x2d: {  	_ =	swait.ge [sflag:s3], $0x1390  }
0x2e: {  	s1 =	rddreg [dreg:$0xe]  }
0x2f: {  	s31 =	rddreg [dreg:$0xd];
	s1 =	sadd.s32 $0x1, s1  }
0x30: {  	p0 =	sne.s32 s1, s31  }
.Ltmp2:
0x31: {  	_ = 	snop;
	(pc) =	sbr.rel @!p0 .LBB2_38-.Ltmp2, $3  }
0x32: {  	_ =	sdelay $0x1  }
0x33: {  	[sflag:s3] =	ssyncset.done $0x0  }
0x34: {  	[sflag:s3] =	ssyncadd.s32 $0xFFFFEC70  }
.LBB2_2:
0x35: {  	[dreg:$0xe] =	wrdreg s1  }
0x36: {  	s0 =	simm.s32 $0x0;
	s8 =	rddreg [dreg:$0x3]  }
0x37: {  	[tilespmem:s0], [sflag:$0x1] =	stream.linear.gather [hbm4b:s8+s0], $0x1390, $0x38;
	[tilespmem:$0x10400] =	vst v63  }
0x38: {  	_ =	swait.ge [sflag:s3], $0x1390  }
0x39: {  	[sflag:s3] =	ssyncset.done $0x0  }
0x3a: {  	s9 =	rddreg [dreg:$0x4];
	[sflag:s3] =	ssyncadd.s32 $0xFFFFEC70  }
0x3b: {  	[tilespmem:s15], [sflag:$0x1] =	stream.linear.gather [hbm4b:s9+s0], $0x1390, $0x38;
	[tilespmem:$0x10400] =	vst v63  }
0x3c: {  	_ =	swait.ge [sflag:s3], $0x1390  }
0x3d: {  	[sflag:s3] =	ssyncset.done $0x0  }
0x3e: {  	s10 =	rddreg [dreg:$0x5];
	[sflag:s3] =	ssyncadd.s32 $0xFFFFEC70  }
0x3f: {  	[tilespmem:s16], [sflag:$0x1] =	stream.linear.gather [hbm4b:s10+s0], $0x1390, $0x38;
	[tilespmem:$0x10400] =	vst v63  }
0x40: {  	_ =	swait.ge [sflag:s3], $0x1390  }
0x41: {  	[sflag:s3] =	ssyncset.done $0x0  }
0x42: {  	s11 =	rddreg [dreg:$0x6];
	[sflag:s3] =	ssyncadd.s32 $0xFFFFEC70  }
0x43: {  	[tilespmem:s17], [sflag:$0x1] =	stream.linear.gather [hbm4b:s11+s0], $0x1390, $0x38;
	[tilespmem:$0x10400] =	vst v63  }
0x44: {  	_ =	swait.ge [sflag:s3], $0x1390  }
0x45: {  	[sflag:s3] =	ssyncset.done $0x0  }
0x46: {  	s12 =	rddreg [dreg:$0x8];
	[sflag:s3] =	ssyncadd.s32 $0xFFFFEC70  }
0x47: {  	[tilespmem:s18], [sflag:$0x1] =	stream.linear.gather [hbm4b:s12+s0], $0x1390, $0x38;
	[tilespmem:$0x10400] =	vst v63  }
0x48: {  	_ =	swait.ge [sflag:s3], $0x1390  }
0x49: {  	[sflag:s3] =	ssyncset.done $0x0  }
0x4a: {  	s13 =	simm.s32 $0x10;
	[sflag:s3] =	ssyncadd.s32 $0xFFFFEC70  }
0x4b: {  	v9 =	vld [tilespmem:s13+$0xFFFFFFF0];
	_ =	sdelay $0x3  }
0x4c: {  	v12 =	vld [tilespmem:s13+$0x0]  }
0x4d: {  	vm3 =	vgt.f32 v9, $0.0e+00  }
0x4e: {  	v6 =	vsel vm3, $0x1, v1  }
0x4f: {  	(xrf0) =	vadd.scan.msk.s32 $0xffff, v6;
	_ =	sdelay $0x1  }
0x50: {  	s14 =	simm.s32 $0x30;
	vm0 =	vgt.f32 v12, $0.0e+00  }
0x51: {  	v10 =	vld [tilespmem:s14+$0xFFFFFFF0];
	v6 =	vsel vm0, $0x1, v1  }
0x52: {  	v7 =	vld [tilespmem:s14+$0x0]  }
0x53: {  	(xrf0) =	vadd.scan.msk.s32 $0xffff, v6  }
0x54: {  	v6, _, _ =	vpop (xrf0)  }
0x55: {  	(v2sf) =	vpush v6, $0xF  }
0x56: {  	vm1 =	vgt.f32 v10, $0.0e+00  }
0x57: {  	vm2 =	vgt.f32 v7, $0.0e+00;
	v8 =	vsel vm1, $0x1, v1  }
0x58: {  	(xrf0) =	vadd.scan.msk.s32 $0xffff, v8;
	v8 =	vsel vm2, $0x1, v1  }
0x59: {  	v13, _, _ =	vpop (xrf0);
	(xrf0) =	vadd.scan.msk.s32 $0xffff, v8  }
0x5a: {  	(v2sf) =	vpush v13, $0xF;
	_ =	sdelay $0x2  }
0x5b: {  	s26 =	simm.s32 $0x1410  }
0x5c: {  	s28 =	simm.s32 $0x2810;
	v14 =	vld [tilespmem:s26+$0xFFFFFFF0];
	v8 =	vmov s0;
	v18, _, _ =	vpop (xrf0)  }
0x5d: {  	s4 =	simm.s32 $0x3C10;
	v15 =	vld [tilespmem:s28+$0xFFFFFFF0];
	v8 =	vadd.s32 $0xFFFFFFFF, v8;
	(v2sf) =	vpush v18, $0xF;
	v11, _, _ =	vpop (xrf0)  }
0x5e: {  	s5 =	simm.s32 $0x5010;
	v16 =	vld [tilespmem:s4+$0xFFFFFFF0];
	vm3 =	vmmov vm3;
	v8 =	vbroadcast v8, $0x0;
	(v2sf) =	vpush v11, $0xF  }
0x5f: {  	v17 =	vld [tilespmem:s5+$0xFFFFFFF0];
	vm3 =	vmmov vm3  }
0x60: {  	s6 =	simm.s32 $0x50;
	v19 =	vadd.s32 v6, v8  }
0x61: {  	v8 =	vld [tilespmem:s6+$0xFFFFFFF0]  }
0x62: {  	v6 =	vld [tilespmem:s6+$0x0];
	s7 =	spop (v2sf)  }
0x63: {  	v22 =	vld [tilespmem:s26+$0x0];
	v21 =	vsub.f32 v16, v14;
	s7 =	sadd.s32 $0x0, s7  }
0x64: {  	v25 =	vld [tilespmem:s4+$0x0];
	v23 =	vsub.f32 v17, v15;
	vm6 =	vmmov vm0;
	v20 =	vmov s7  }
0x65: {  	v26 =	vld [tilespmem:s5+$0x0];
	vm4 =	vmmov vm6;
	[tilespmem:v19+s19+$0x0] =	vst.idx.msk vm3, v9;
	v20 =	vadd.s32 $0xFFFFFFFF, v20  }
0x66: {  	v21 =	vmax.f32 v21, $0.0e+00;
	v23 =	vmax.f32 v23, $0.0e+00;
	v9 =	vld [tilespmem:s28+$0x0];
	[tilespmem:v19+s20+$0x0] =	vst.idx.msk vm3, v14;
	v20 =	vbroadcast v20, $0x0  }
0x67: {  	s4 =	simm.s32 $0x2830;
	vm7 =	vmmov vm4;
	vm8 =	vgt.f32 v8, $0.0e+00;
	vm0 =	vgt.f32 v6, $0.0e+00;
	[tilespmem:v19+s21+$0x0] =	vst.idx.msk vm3, v15;
	s29 =	spop (v2sf)  }
0x68: {  	s6 =	simm.s32 $0x5030;
	v15 =	vld [tilespmem:s4+$0xFFFFFFF0];
	[tilespmem:v19+s22+$0x0] =	vst.idx.msk vm3, v16;
	s7 =	sadd.s32 s7, s29;
	v27 =	vadd.s32 v13, v20;
	v13 =	vsel vm8, $0x1, v1;
	v20 =	vmul.f32 v23, v21  }
0x69: {  	s1 =	simm.s32 $0x1430;
	v16 =	vsel vm0, $0x1, v1;
	[tilespmem:v19+s23+$0x0] =	vst.idx.msk vm3, v17;
	v17 =	vld [tilespmem:s6+$0xFFFFFFF0];
	v24 =	vmov s7;
	(xrf0) =	vadd.scan.msk.s32 $0xffff, v13  }
0x6a: {  	s5 =	simm.s32 $0x3C30;
	v14 =	vld [tilespmem:s1+$0xFFFFFFF0];
	v13 =	vadd.s32 $0xFFFFFFFF, v24;
	(xrf0) =	vadd.scan.msk.s32 $0xffff, v16;
	[tilespmem:v19+s24+$0x0] =	vst.idx.msk vm3, v20;
	v20 =	vor.u32 s0, v0  }
0x6b: {  	v16 =	vld [tilespmem:s5+$0xFFFFFFF0];
	v13 =	vbroadcast v13, $0x0;
	[tilespmem:v19+s25+$0x0] =	vst.idx.msk vm3, v20;
	v19 =	vsub.f32 v25, v22;
	v20 =	vsub.f32 v26, v9  }
0x6c: {  	vm2 =	vmmov vm2;
	s30 =	spop (v2sf)  }
0x6d: {  	vm5 =	vmmov vm2;
	s3 =	sadd.s32 s7, s30;
	s31 =	spop (v2sf);
	v13 =	vadd.s32 v18, v13;
	[tilespmem:v27+s19+$0x0] =	vst.idx.msk vm6, v12;
	v18 =	vmax.f32 v20, $0.0e+00  }
0x6e: {  	v24 =	vsub.f32 v17, v15;
	s8 =	sadd.s32 s3, s31;
	vm3 =	vmmov vm1;
	vm1 =	vmmov vm0;
	[tilespmem:v27+s20+$0x0] =	vst.idx.msk vm6, v22  }
0x6f: {  	s9 =	simm.s32 $0x70;
	v23 =	vmov s8;
	vm4 =	vmmov vm3;
	v12 =	vmax.f32 v19, $0.0e+00;
	[tilespmem:v27+s21+$0x0] =	vst.idx.msk vm6, v9;
	v19, _, _ =	vpop (xrf0)  }
0x70: {  	v22 =	vmul.f32 v18, v12;
	v12 =	vld [tilespmem:s9+$0xFFFFFFF0];
	v20 =	vsub.f32 v16, v14;
	[tilespmem:v27+s22+$0x0] =	vst.idx.msk vm7, v25;
	(v2sf) =	vpush v19, $0xF;
	v18, _, _ =	vpop (xrf0)  }
0x71: {  	s10 =	simm.s32 $0x10;
	vm3 =	vmmov vm8;
	v9 =	vld [tilespmem:s9+$0x0];
	vm6 =	vmmov vm2;
	[tilespmem:v27+s23+$0x0] =	vst.idx.msk vm7, v26;
	(v2sf) =	vpush v18, $0xF  }
0x72: {  	v25 =	vmov s3;
	v21 =	vmax.f32 v20, $0.0e+00;
	v26 =	vor.u32 s10, v0;
	[tilespmem:v27+s24+$0x0] =	vst.idx.msk vm7, v22  }
0x73: {  	s10 =	simm.s32 $0x6;
	v20 =	vld [tilespmem:s1+$0x0];
	v22 =	vmax.f32 v24, $0.0e+00;
	v24 =	vadd.s32 $0xFFFFFFFF, v25;
	[tilespmem:v27+s25+$0x0] =	vst.idx.msk vm7, v26;
	vm7 =	vmmov vm2  }
.LBB2_3:
0x74: {  	vm8 =	vmmov vm0  }
0x75: {  	s10 =	sadd.s32 $0x2, s10;
	vm10 =	vgt.f32 v12, $0.0e+00;
	v23 =	vadd.s32 $0xFFFFFFFF, v23;
	v24 =	vbroadcast v24, $0x0;
	[tilespmem:v13+s19+$0x0] =	vst.idx.msk vm4, v10;
	v25 =	vld [tilespmem:s4+$0x0];
	v10 =	vmovc v8;
	v8 =	vmovc v12  }
0x76: {  	p0 =	slt.u32 s10, $0x136;
	v12 =	vsel vm10, $0x1, v1;
	vm0 =	vgt.f32 v9, $0.0e+00;
	v23 =	vbroadcast v23, $0x0;
	[tilespmem:v13+s20+$0x0] =	vst.idx.msk vm4, v14;
	v26 =	vld [tilespmem:s5+$0x0]  }
0x77: {  	s1 =	sadd.s32 $0x20, s1;
	v14 =	vsel vm0, $0x1, v1;
	v28 =	vadd.s32 v11, v24;
	v11 =	vmovc v18;
	(xrf0) =	vadd.scan.msk.s32 $0xffff, v12;
	[tilespmem:v13+s21+$0x0] =	vst.idx.msk vm4, v15;
	v27 =	vld [tilespmem:s6+$0x0]  }
0x78: {  	s4 =	sadd.s32 $0x20, s4;
	v18 =	vmul.f32 v22, v21;
	v12 =	vadd.s32 v19, v23;
	(xrf0) =	vadd.scan.msk.s32 $0xffff, v14;
	v14 =	vld [tilespmem:s1+$0xFFFFFFF0];
	[tilespmem:v13+s22+$0x0] =	vst.idx.msk vm4, v16  }
0x79: {  	s0 =	sadd.s32 $0x20, s0;
	vm9 =	vmmov vm5;
	vm5 =	vmmov vm1;
	s5 =	sadd.s32 $0x20, s5;
	vm1 =	vmmov vm0;
	v15 =	vld [tilespmem:s4+$0xFFFFFFF0];
	[tilespmem:v13+s23+$0x0] =	vst.idx.msk vm4, v17  }
0x7a: {  	s6 =	sadd.s32 $0x20, s6;
	v16 =	vld [tilespmem:s5+$0xFFFFFFF0];
	[tilespmem:v13+s24+$0x0] =	vst.idx.msk vm4, v18;
	v18 =	vor.u32 s0, v0  }
0x7b: {  	v17 =	vld [tilespmem:s6+$0xFFFFFFF0];
	[tilespmem:v13+s25+$0x0] =	vst.idx.msk vm4, v18;
	v13 =	vmov v12;
	vm4 =	vmmov vm3;
	vm3 =	vmmov vm10  }
0x7c: {  	v21 =	vsub.f32 v26, v20;
	v22 =	vsub.f32 v27, v25;
	[tilespmem:v28+s19+$0x0] =	vst.idx.msk vm2, v7;
	v7 =	vmov v6  }
0x7d: {  	s9 =	sadd.s32 $0x20, s9;
	v6 =	vmov v9;
	vm2 =	vmmov vm8;
	v19, _, _ =	vpop (xrf0);
	[tilespmem:v28+s20+$0x0] =	vst.idx.msk vm6, v20;
	vm6 =	vmmov vm8  }
.Ltmp3:
0x7e: {  	v20 =	vmax.f32 v21, $0.0e+00;
	v12 =	vld [tilespmem:s9+$0xFFFFFFF0];
	(v2sf) =	vpush v19, $0xF;
	v18, _, _ =	vpop (xrf0);
	v21 =	vmax.f32 v22, $0.0e+00;
	[tilespmem:v28+s21+$0x0] =	vst.idx.msk vm7, v25;
	(pc) =	sbr.rel @p0 .LBB2_3-.Ltmp3, $4  }
0x7f: {  	v9 =	vld [tilespmem:s9+$0x0];
	(v2sf) =	vpush v18, $0xF;
	v22 =	vsub.f32 v16, v14;
	s3 =	spop (v2sf);
	v20 =	vmul.f32 v21, v20;
	[tilespmem:v28+s22+$0x0] =	vst.idx.msk vm9, v26  }
0x80: {  	s11 =	sadd.s32 $0x10, s0;
	vm7 =	vmmov vm8;
	v24 =	vsub.f32 v17, v15;
	s3 =	sadd.s32 s8, s3;
	s7 =	spop (v2sf);
	[tilespmem:v28+s23+$0x0] =	vst.idx.msk vm9, v27  }
0x81: {  	v26 =	vor.u32 s11, v0;
	v21 =	vmax.f32 v22, $0.0e+00;
	v25 =	vmov s3;
	s8 =	sadd.s32 s3, s7;
	[tilespmem:v28+s24+$0x0] =	vst.idx.msk vm9, v20  }
0x82: {  	v23 =	vmov s8;
	v22 =	vmax.f32 v24, $0.0e+00;
	v20 =	vld [tilespmem:s1+$0x0];
	v24 =	vadd.s32 $0xFFFFFFFF, v25;
	[tilespmem:v28+s25+$0x0] =	vst.idx.msk vm9, v26  }
0x83: {  	_ =	sdelay $0x3  }
0x84: {  	v61 =	vld [tilespmem:s4+$0x0];
	v24 =	vbroadcast v24, $0x0  }
0x85: {  	vm8 =	vgt.f32 v12, $0.0e+00;
	[tilespmem:v13+s19+$0x0] =	vst.idx.msk vm4, v10;
	v62 =	vld [tilespmem:s5+$0x0]  }
0x86: {  	v63 =	vld [tilespmem:s6+$0x0];
	v25 =	vsel vm8, $0x1, v1;
	[tilespmem:v13+s20+$0x0] =	vst.idx.msk vm4, v14;
	v11 =	vadd.s32 v11, v24  }
0x87: {  	(xrf0) =	vadd.scan.msk.s32 $0xffff, v25;
	[tilespmem:v13+s21+$0x0] =	vst.idx.msk vm4, v15  }
0x88: {  	v21 =	vmul.f32 v22, v21;
	vm5 =	vmmov vm5;
	[tilespmem:v13+s22+$0x0] =	vst.idx.msk vm4, v16  }
0x89: {  	v23 =	vadd.s32 $0xFFFFFFFF, v23;
	s3 =	sadd.s32 $0x20, s4;
	[tilespmem:v13+s23+$0x0] =	vst.idx.msk vm4, v17  }
0x8a: {  	s5 =	sadd.s32 $0x20, s5;
	v26 =	vld [tilespmem:s3+$0xFFFFFFF0];
	v16 =	vbroadcast v23, $0x0;
	[tilespmem:v13+s24+$0x0] =	vst.idx.msk vm4, v21  }
0x8b: {  	s9 =	sadd.s32 $0x20, s6;
	v29 =	vld [tilespmem:s5+$0xFFFFFFF0];
	v27 =	vsub.f32 v62, v20;
	v28 =	vsub.f32 v63, v61;
	[tilespmem:v11+s19+$0x0] =	vst.idx.msk vm2, v7  }
0x8c: {  	s1 =	sadd.s32 $0x20, s1;
	v31 =	vld [tilespmem:s9+$0xFFFFFFF0];
	v7 =	vadd.s32 v19, v16;
	[tilespmem:v11+s20+$0x0] =	vst.idx.msk vm6, v20  }
0x8d: {  	vm15 =	vmmov vm3;
	v25 =	vld [tilespmem:s1+$0xFFFFFFF0];
	v17 =	vmax.f32 v27, $0.0e+00;
	v22 =	vmax.f32 v28, $0.0e+00;
	v30, _, _ =	vpop (xrf0);
	[tilespmem:v11+s21+$0x0] =	vst.idx.msk vm7, v61  }
0x8e: {  	v32 =	vmul.f32 v22, v17;
	(v2sf) =	vpush v30, $0xF;
	[tilespmem:v11+s22+$0x0] =	vst.idx.msk vm5, v62  }
0x8f: {  	s0 =	sadd.s32 $0x20, s0;
	s10 =	spop (v2sf);
	[tilespmem:v11+s23+$0x0] =	vst.idx.msk vm5, v63  }
0x90: {  	s7 =	sadd.s32 $0x10, s0;
	s6 =	sadd.s32 s8, s10;
	[tilespmem:v11+s24+$0x0] =	vst.idx.msk vm5, v32  }
0x91: {  	v34 =	vor.u32 s7, v0;
	v33 =	vmov s6;
	[tilespmem:v7+s19+$0x0] =	vst.idx.msk vm3, v8  }
0x92: {  	v37 =	vsub.f32 v31, v26;
	v36 =	vsub.f32 v29, v25;
	v14 =	vadd.s32 $0xFFFFFFFF, v33;
	[tilespmem:v11+s25+$0x0] =	vst.idx.msk vm5, v34  }
0x93: {  	v35 =	vld [tilespmem:s1+$0x0];
	[tilespmem:v7+s20+$0x0] =	vst.idx.msk vm15, v25;
	v14 =	vbroadcast v14, $0x0  }
0x94: {  	vm9 =	vmmov vm0;
	v38 =	vld [tilespmem:s3+$0x0];
	v10 =	vmax.f32 v36, $0.0e+00;
	s11 =	spop (v2sf);
	v11 =	vmax.f32 v37, $0.0e+00;
	[tilespmem:v7+s21+$0x0] =	vst.idx.msk vm15, v26  }
0x95: {  	v39 =	vld [tilespmem:s5+$0x0];
	s6 =	sadd.s32 s6, s11;
	v10 =	vmul.f32 v11, v10;
	[tilespmem:v7+s22+$0x0] =	vst.idx.msk vm15, v29;
	v14 =	vadd.s32 v18, v14  }
0x96: {  	vm10 =	vmmov vm1;
	v40 =	vld [tilespmem:s9+$0x0];
	v24 =	vor.u32 s0, v0;
	s0 =	sadd.s32 $0x20, s0;
	v41 =	vmov s6;
	[tilespmem:v7+s23+$0x0] =	vst.idx.msk vm15, v31  }
0x97: {  	vm11 =	vmmov vm10;
	v42 =	vor.u32 s0, v0;
	v11 =	vadd.s32 $0xFFFFFFFF, v41;
	[tilespmem:v7+s24+$0x0] =	vst.idx.msk vm15, v10  }
0x98: {  	vm13 =	vmmov vm8;
	s3 =	sadd.s32 $0x20, s3;
	[tilespmem:v7+s25+$0x0] =	vst.idx.msk vm15, v42;
	v7 =	vbroadcast v11, $0x0  }
0x99: {  	s4 =	sadd.s32 $0x20, s5;
	s5 =	sadd.s32 $0x20, s9;
	v45 =	vld [tilespmem:s3+$0xFFFFFFF0];
	vm1 =	vmmov vm13;
	[tilespmem:v13+s25+$0x0] =	vst.idx.msk vm4, v24  }
0x9a: {  	vm12 =	vgt.f32 v9, $0.0e+00;
	s1 =	sadd.s32 $0x20, s1;
	v48 =	vld [tilespmem:s5+$0xFFFFFFF0];
	v7 =	vadd.s32 v30, v7;
	[tilespmem:v14+s19+$0x0] =	vst.idx.msk vm9, v6  }
0x9b: {  	v43 =	vsel vm12, $0x1, v1;
	v44 =	vld [tilespmem:s1+$0xFFFFFFF0];
	v46 =	vsub.f32 v39, v35;
	v47 =	vsub.f32 v40, v38;
	[tilespmem:v14+s20+$0x0] =	vst.idx.msk vm9, v35  }
0x9c: {  	(xrf0) =	vadd.scan.msk.s32 $0xffff, v43;
	v6 =	vld [tilespmem:s4+$0xFFFFFFF0];
	[tilespmem:v14+s21+$0x0] =	vst.idx.msk vm9, v38  }
0x9d: {  	v49 =	vmax.f32 v47, $0.0e+00;
	v11 =	vmax.f32 v46, $0.0e+00;
	s12 =	spop (v2sf);
	[tilespmem:v14+s22+$0x0] =	vst.idx.msk vm11, v39  }
0x9e: {  	v50 =	vmul.f32 v49, v11;
	s6 =	sadd.s32 s6, s12;
	[tilespmem:v14+s23+$0x0] =	vst.idx.msk vm11, v40  }
0x9f: {  	s13 =	sadd.s32 $0x10, s0;
	[tilespmem:v7+s19+$0x0] =	vst.idx.msk vm1, v12;
	v51 =	vmov s6  }
0xa0: {  	v56 =	vld [tilespmem:s3+$0x0];
	v52 =	vor.u32 s13, v0;
	[tilespmem:v14+s24+$0x0] =	vst.idx.msk vm11, v50;
	v11 =	vadd.s32 $0xFFFFFFFF, v51  }
0xa1: {  	v58 =	vld [tilespmem:s4+$0x0];
	v55 =	vsub.f32 v48, v45;
	v54 =	vsub.f32 v6, v44;
	[tilespmem:v7+s20+$0x0] =	vst.idx.msk vm1, v44;
	v11 =	vbroadcast v11, $0x0  }
0xa2: {  	vm0 =	vmmov vm12;
	v59 =	vld [tilespmem:s5+$0x0];
	v57, _, _ =	vpop (xrf0);
	[tilespmem:v14+s25+$0x0] =	vst.idx.msk vm11, v52  }
0xa3: {  	v53 =	vld [tilespmem:s1+$0x0];
	v14 =	vmax.f32 v55, $0.0e+00;
	[tilespmem:v7+s21+$0x0] =	vst.idx.msk vm1, v45;
	v8 =	vmax.f32 v54, $0.0e+00;
	v11 =	vadd.s32 v57, v11  }
0xa4: {  	vm14 =	vmmov vm0;
	[tilespmem:v7+s22+$0x0] =	vst.idx.msk vm1, v6;
	v8 =	vmul.f32 v14, v8  }
0xa5: {  	s0 =	sadd.s32 $0x20, s0;
	vm2 =	vmmov vm14;
	[tilespmem:v7+s23+$0x0] =	vst.idx.msk vm1, v48  }
0xa6: {  	v6 =	vor.u32 s0, v0;
	[tilespmem:v7+s24+$0x0] =	vst.idx.msk vm1, v8  }
0xa7: {  	[tilespmem:v7+s25+$0x0] =	vst.idx.msk vm1, v6  }
0xa8: {  	v6 =	vsub.f32 v58, v53;
	v7 =	vsub.f32 v59, v56;
	[tilespmem:v11+s19+$0x0] =	vst.idx.msk vm0, v9  }
0xa9: {  	[tilespmem:v11+s20+$0x0] =	vst.idx.msk vm0, v53  }
0xaa: {  	v6 =	vmax.f32 v6, $0.0e+00;
	v7 =	vmax.f32 v7, $0.0e+00;
	[tilespmem:v11+s21+$0x0] =	vst.idx.msk vm0, v56  }
0xab: {  	v6 =	vmul.f32 v7, v6;
	[tilespmem:v11+s22+$0x0] =	vst.idx.msk vm2, v58  }
0xac: {  	s0 =	sadd.s32 $0x10, s0;
	[tilespmem:v11+s23+$0x0] =	vst.idx.msk vm2, v59  }
0xad: {  	(v2sf) =	vpush v57, $0xF;
	[tilespmem:v11+s24+$0x0] =	vst.idx.msk vm2, v6;
	v6 =	vor.u32 s0, v0  }
0xae: {  	[tilespmem:v11+s25+$0x0] =	vst.idx.msk vm2, v6  }
0xaf: {  	v6 =	vld [tilespmem:$0x1380];
	_ =	sdelay $0x4  }
0xb0: {  	vm15 =	vgt.f32 v6, $0.0e+00  }
0xb1: {  	v7 =	vsel vm15, $0x1, v1  }
0xb2: {  	(xrf0) =	vadd.scan.msk.s32 $0xffff, v7;
	_ =	sdelay $0x5  }
0xb3: {  	s14 =	spop (v2sf);
	v7, _, _ =	vpop (xrf0)  }
0xb4: {  	s0 =	sadd.s32 s6, s14;
	(v2sf) =	vpush v7, $0xF  }
0xb5: {  	v60 =	vmov s0  }
0xb6: {  	v9 =	vld [tilespmem:$0x2780];
	v8 =	vadd.s32 $0xFFFFFFFF, v60  }
0xb7: {  	v10 =	vld [tilespmem:$0x3B80];
	v8 =	vbroadcast v8, $0x0  }
0xb8: {  	v11 =	vld [tilespmem:$0x4F80]  }
0xb9: {  	v12 =	vld [tilespmem:$0x6380];
	v7 =	vadd.s32 v7, v8;
	_ =	sdelay $0x4  }
0xba: {  	v61 =	vsub.f32 v11, v9;
	v62 =	vsub.f32 v12, v10;
	[tilespmem:v7+s19+$0x0] =	vst.idx.msk vm15, v6  }
0xbb: {  	[tilespmem:v7+s20+$0x0] =	vst.idx.msk vm15, v9  }
0xbc: {  	v63 =	vmax.f32 v62, $0.0e+00;
	v6 =	vmax.f32 v61, $0.0e+00;
	[tilespmem:v7+s21+$0x0] =	vst.idx.msk vm15, v10  }
0xbd: {  	v6 =	vmul.f32 v63, v6;
	[tilespmem:v7+s22+$0x0] =	vst.idx.msk vm15, v11  }
0xbe: {  	[tilespmem:v7+s23+$0x0] =	vst.idx.msk vm15, v12  }
0xbf: {  	[tilespmem:v7+s24+$0x0] =	vst.idx.msk vm15, v6;
	s26 =	spop (v2sf)  }
0xc0: {  	[tilespmem:v7+s25+$0x0] =	vst.idx.msk vm15, v2;
	s28 =	sadd.s32 s0, s26  }
0xc1: {  	s29 =	simm.s32 $0x30;
	[tilespmem:s28+$0x6400] =	vst v3  }
0xc2: {  	s30 =	simm.s32 $0x10;
	v6 =	vor.u32 s29, v0;
	s0 =	simm.s32 $0x0;
	[tilespmem:s28+$0xDC00] =	vst v4  }
0xc3: {  	v7 =	vor.u32 s30, v0;
	[tilespmem:s0+$0xF030] =	vst v6  }
0xc4: {  	[tilespmem:s0+$0xF010] =	vst v7  }
0xc5: {  	[tilespmem:s0+$0x0] =	vst v5  }
0xc6: {  	[tilespmem:s0+$0x1400] =	vst v5  }
0xc7: {  	[tilespmem:s0+$0x2800] =	vst v5  }
0xc8: {  	[tilespmem:s0+$0x3C00] =	vst v5  }
0xc9: {  	[tilespmem:s0+$0x5000] =	vst v5  }
0xca: {  	[tilespmem:s0+$0x10] =	vst v5  }
0xcb: {  	[tilespmem:s0+$0x1410] =	vst v5  }
0xcc: {  	[tilespmem:s0+$0x2810] =	vst v5  }
0xcd: {  	[tilespmem:s0+$0x3C10] =	vst v5  }
0xce: {  	[tilespmem:s0+$0x5010] =	vst v5  }
0xcf: {  	[tilespmem:s0+$0x20] =	vst v5  }
0xd0: {  	[tilespmem:s0+$0x1420] =	vst v5  }
0xd1: {  	[tilespmem:s0+$0x2820] =	vst v5  }
0xd2: {  	[tilespmem:s0+$0x3C20] =	vst v5  }
0xd3: {  	[tilespmem:s0+$0x5020] =	vst v5  }
0xd4: {  	[tilespmem:s0+$0x30] =	vst v5  }
0xd5: {  	s31 =	simm.s32 $0x20;
	[tilespmem:s0+$0x1430] =	vst v5  }
0xd6: {  	s1 =	simm.s32 $0x0;
	v6 =	vor.u32 s31, v0;
	[tilespmem:s0+$0x2830] =	vst v5  }
0xd7: {  	s3 =	simm.s32 $0x0;
	v7 =	vor.u32 s1, v0;
	[tilespmem:s0+$0xF020] =	vst v6  }
0xd8: {  	s5 =	simm.s32 $0x1380;
	s4 =	simm.s32 $0x4E00;
	s6 =	simm.s32 $0x40;
	[tilespmem:s0+$0xF000] =	vst v7  }
.LBB2_5:
0xd9: {  	v6 =	vor.u32 s6, v0;
	s7 =	sadd.s32 $0x30, s6;
	s3 =	sadd.s32 $0x4, s3;
	[tilespmem:s0+$0x3C30] =	vst v5;
	s1 =	sadd.s32 $0x100, s1  }
0xda: {  	s8 =	sadd.s32 $0x10, s6;
	v7 =	vor.u32 s7, v0;
	p0 =	slt.u32 s3, $0x134;
	[tilespmem:s0+$0x5030] =	vst v5;
	s0 =	sshra.s32 s1, $0x2  }
0xdb: {  	v8 =	vor.u32 s8, v0;
	s7 =	sadd.s32 $0x20, s6;
	[tilespmem:s0+$0xF030] =	vst v7  }
0xdc: {  	v7 =	vor.u32 s7, v0;
	[tilespmem:s0+$0xF010] =	vst v8  }
0xdd: {  	[tilespmem:s0+$0xF020] =	vst v7  }
0xde: {  	[tilespmem:s0+$0xF000] =	vst v6  }
0xdf: {  	[tilespmem:s0+$0x0] =	vst v5  }
0xe0: {  	[tilespmem:s0+$0x1400] =	vst v5  }
0xe1: {  	[tilespmem:s0+$0x2800] =	vst v5  }
0xe2: {  	[tilespmem:s0+$0x3C00] =	vst v5  }
0xe3: {  	[tilespmem:s0+$0x5000] =	vst v5  }
0xe4: {  	[tilespmem:s0+$0x10] =	vst v5  }
0xe5: {  	[tilespmem:s0+$0x1410] =	vst v5  }
0xe6: {  	[tilespmem:s0+$0x2810] =	vst v5  }
0xe7: {  	[tilespmem:s0+$0x3C10] =	vst v5  }
0xe8: {  	[tilespmem:s0+$0x5010] =	vst v5  }
0xe9: {  	[tilespmem:s0+$0x20] =	vst v5  }
0xea: {  	[tilespmem:s0+$0x1420] =	vst v5  }
0xeb: {  	[tilespmem:s0+$0x2820] =	vst v5  }
.Ltmp4:
0xec: {  	[tilespmem:s0+$0x3C20] =	vst v5;
	(pc) =	sbr.rel @p0 .LBB2_5-.Ltmp4, $4  }
0xed: {  	[tilespmem:s0+$0x5020] =	vst v5  }
0xee: {  	[tilespmem:s0+$0x30] =	vst v5  }
0xef: {  	[tilespmem:s0+$0x1430] =	vst v5  }
0xf0: {  	s6 =	sadd.s32 $0x40, s6;
	[tilespmem:s0+$0x2830] =	vst v5  }
0xf1: {  	[tilespmem:s0+$0x3C30] =	vst v5  }
0xf2: {  	[tilespmem:s0+$0x5030] =	vst v5  }
.LBB2_7:
0xf3: {  	v6 =	vor.u32 s5, v0;
	s0 =	sshra.s32 s4, $0x2  }
0xf4: {  	p0 =	sne.s32 s4, $0x4E40;
	[tilespmem:s0+$0xF000] =	vst v6  }
.Ltmp5:
0xf5: {  	[tilespmem:s0+$0x0] =	vst v5;
	(pc) =	sbr.rel @p0 .LBB2_7-.Ltmp5, $4  }
0xf6: {  	[tilespmem:s0+$0x1400] =	vst v5  }
0xf7: {  	[tilespmem:s0+$0x2800] =	vst v5  }
0xf8: {  	[tilespmem:s0+$0x3C00] =	vst v5  }
0xf9: {  	s5 =	sadd.s32 $0x10, s5;
	s4 =	sadd.s32 $0x40, s4;
	[tilespmem:s0+$0x5000] =	vst v5  }
0xfa: {  	s0 =	sadd.s32 $0x17, s28  }
0xfb: {  	s1 =	smulhi.u32 $0x2AAAAAAB, s0;
	s3 =	sshra.s32 s0, $0x1F  }
0xfc: {  	s3 =	smul.u32 $0x2AAAAAAB, s3;
	_ =	sdelay $0x1  }
0xfd: {  	s1 =	sadd.s32 s3, s1  }
0xfe: {  	s3 =	sshrl.u32 s1, $0x1F;
	s1 =	sshra.s32 s1, $0x2  }
0xff: {  	s1 =	sadd.s32 s3, s1  }
0x100: {  	s3 =	smul.u32 $0xFFFFFFE8, s1  }
0x101: {  	s4 =	ssub.s32 $0xFFFFFFE9, s28  }
0x102: {  	p0 =	slt.s32 s0, $0x1;
	p1 =	sne.s32 s3, s4  }
0x103: {  	p0 =	por !p0, !p1  }
0x104: {  	s0 =	simm.s32 $0x1;
	p0 =	por !p0, !p0  }
0x105: {  	s0 =	simm.s32 @!p0 $0x0  }
0x106: {  	s29 =	ssub.s32 s1, s0  }
0x107: {  	p0 =	slt.s32 s29, $0x1  }
.Ltmp6:
0x108: {  	_ = 	snop;
	(pc) =	sbr.rel @!p0 .LBB2_9-.Ltmp6, $4  }
.Ltmp7:
0x109: {  	_ = 	snop;
	(pc) =	sbr.rel @p0 .LBB2_37-.Ltmp7, $4  }
0x10a: {  	_ = 	snop  }
0x10b: {  	_ = 	snop  }
0x10c: {  	s30 =	simm.s32 $0x0  }
0x10d: {  	_ = 	snop  }
.LBB2_23:
0x10e: {  	s11 =	simm.s32 $0xC800;
	s5 =	simm.s32 $0xB400;
	s10 =	simm.s32 $0xA000  }
0x10f: {  	s31 =	simm.s32 $0x0;
	s12 =	simm.s32 $0x8C00;
	s13 =	simm.s32 $0x7800  }
.LBB2_35:
0x110: {  	vm0 =	vgt.f32 v6, $0.0e+00  }
0x111: {  	v7 =	vsel vm0, $0x1, v1  }
0x112: {  	(xrf0) =	vadd.scan.msk.s32 $0xffff, v7;
	_ =	sdelay $0x4  }
0x113: {  	s3 =	spop @p0 (v2sf)  }
0x114: {  	s3 =	sadd.s32 @p0 s31, s3;
	v7, _, _ =	vpop (xrf0)  }
0x115: {  	s28 =	smov.u32 @p0 s3;
	(v2sf) =	vpush v7, $0xF  }
0x116: {  	v8 =	vmov s28  }
0x117: {  	v8 =	vadd.s32 $0xFFFFFFFF, v8  }
0x118: {  	s3 =	sadd.s32 @p0 $0x10, s11;
	v8 =	vbroadcast v8, $0x0  }
0x119: {  	s8 =	smov.u32 @p0 s3;
	s3 =	sadd.s32 @p0 $0x10, s13  }
0x11a: {  	v9 =	vld [tilespmem:s9+$0x0];
	s7 =	sadd.s32 @p0 $0x10, s12;
	s6 =	smov.u32 @p0 s3;
	v7 =	vadd.s32 v7, v8  }
0x11b: {  	s4 =	smov.u32 @p0 s7;
	s3 =	sadd.s32 @p0 $0x10, s10;
	v63 =	vld [tilespmem:s6+$0x0]  }
0x11c: {  	s5 =	sadd.s32 @p0 $0x10, s5;
	v11 =	vld [tilespmem:s4+$0x0];
	s1 =	smov.u32 @p0 s3  }
0x11d: {  	s0 =	smov.u32 @p0 s5;
	v12 =	vld [tilespmem:s1+$0x0]  }
0x11e: {  	v13 =	vld [tilespmem:s0+$0x0]  }
0x11f: {  	v10 =	vld [tilespmem:s8+$0x0];
	[tilespmem:v7+s19+$0x0] =	vst.idx.msk vm0, v6  }
0x120: {  	[tilespmem:v7+s20+$0x0] =	vst.idx.msk vm0, v63  }
0x121: {  	[tilespmem:v7+s21+$0x0] =	vst.idx.msk vm0, v11  }
0x122: {  	[tilespmem:v7+s22+$0x0] =	vst.idx.msk vm0, v12  }
0x123: {  	[tilespmem:v7+s23+$0x0] =	vst.idx.msk vm0, v13  }
0x124: {  	[tilespmem:v7+s24+$0x0] =	vst.idx.msk vm0, v10;
	s31 =	spop (v2sf)  }
0x125: {  	[tilespmem:v7+s25+$0x0] =	vst.idx.msk vm0, v9;
	s28 =	sadd.s32 s28, s31  }
.LBB2_36:
0x126: {  	s30 =	sadd.s32 $0x1, s30  }
0x127: {  	p0 =	sne.s32 s30, s29  }
.Ltmp8:
0x128: {  	_ = 	snop;
	(pc) =	sbr.rel @!p0 .LBB2_37-.Ltmp8, $3  }
0x129: {  	_ =	sdelay $0x1  }
0x12a: {  	[tilespmem:s28+$0x6400] =	vst v3  }
0x12b: {  	[tilespmem:s28+$0xDC00] =	vst v4  }
.LBB2_9:
0x12c: {  	s0 =	sadd.s32 $0xF, s28  }
0x12d: {  	s1 =	sand.u32 $0xF, s0  }
0x12e: {  	s31 =	sshra.s32 s0, $0x1F;
	p1 =	slt.s32 s0, $0x1;
	p0 =	sne.s32 s1, $0x0  }
0x12f: {  	s1 =	sshrl.u32 s31, $0x1C;
	p0 =	por !p1, !p0  }
0x130: {  	s0 =	sadd.s32 s1, s0;
	s1 =	simm.s32 $0x1;
	p0 =	por !p0, !p0  }
0x131: {  	s0 =	sshra.s32 s0, $0x4;
	s1 =	simm.s32 @!p0 $0x0  }
0x132: {  	s5 =	ssub.s32 s0, s1  }
0x133: {  	s0 =	sshrl.u32 s5, $0x1E  }
0x134: {  	s0 =	sadd.s32 s0, s5  }
0x135: {  	s0 =	sand.u32 $0xFFFFFFFC, s0  }
0x136: {  	p0 =	slt.s32 s0, $0x1  }
.Ltmp9:
0x137: {  	_ = 	snop;
	(pc) =	sbr.rel @p0 .LBB2_10-.Ltmp9, $1  }
0x138: {  	_ =	sdelay $0x3  }
0x139: {  	s4 =	simm.s32 $0x6420  }
0x13a: {  	v10 =	vld [tilespmem:s4+$0xFFFFFFE0];
	_ =	sdelay $0x1  }
0x13b: {  	p0 =	sgt.s32 s0, $0x4;
	v7 =	vld [tilespmem:s4+$0xFFFFFFF0]  }
.Ltmp10:
0x13c: {  	_ = 	snop;
	(pc) =	sbr.rel @!p0 .LBB2_20-.Ltmp10, $4  }
0x13d: {  	v9 =	vimm.f32 $-3.000000010e+38;
	s1 =	simm.s32 $0x0;
	v6 =	vld [tilespmem:s4+$0x0]  }
0x13e: {  	v8 =	vimm.s32 $0x0;
	v11 =	vor.u32 s1, v0;
	vm0 =	vgt.f32 v10, v9  }
0x13f: {  	s6 =	simm.s32 $0x10;
	v9 =	vsel vm0, v10, v9;
	v10 =	vsel vm0, v11, v8;
	v8 =	vld [tilespmem:s4+$0x10]  }
0x140: {  	s3 =	simm.s32 $0x4;
	v11 =	vor.u32 s6, v0;
	s4 =	simm.s32 $0x6460;
	vm0 =	vgt.f32 v7, v9  }
.LBB2_19:
0x141: {  	v12 =	vld [tilespmem:s4+$0xFFFFFFE0];
	s3 =	sadd.s32 $0x4, s3;
	v9 =	vsel vm0, v7, v9;
	v10 =	vsel vm0, v11, v10;
	s6 =	sadd.s32 $0x20, s1  }
0x142: {  	p0 =	slt.s32 s3, s0;
	vm0 =	vgt.f32 v6, v9;
	v11 =	vor.u32 s6, v0  }
0x143: {  	s6 =	sadd.s32 $0x30, s1;
	v7 =	vld [tilespmem:s4+$0xFFFFFFF0];
	v9 =	vsel vm0, v6, v9;
	v10 =	vsel vm0, v11, v10  }
.Ltmp11:
0x144: {  	v11 =	vor.u32 s6, v0;
	vm0 =	vgt.f32 v8, v9;
	(pc) =	sbr.rel @p0 .LBB2_19-.Ltmp11, $4  }
0x145: {  	s1 =	sadd.s32 $0x40, s1;
	v6 =	vld [tilespmem:s4+$0x0];
	v8 =	vsel vm0, v8, v9;
	v10 =	vsel vm0, v11, v10  }
0x146: {  	v11 =	vor.u32 s1, v0;
	vm0 =	vgt.f32 v12, v8  }
0x147: {  	s6 =	sadd.s32 $0x10, s1;
	v9 =	vsel vm0, v12, v8;
	v10 =	vsel vm0, v11, v10;
	v8 =	vld [tilespmem:s4+$0x10]  }
0x148: {  	v11 =	vor.u32 s6, v0;
	s4 =	sadd.s32 $0x40, s4;
	vm0 =	vgt.f32 v7, v9  }
.LBB2_20:
.Ltmp12:
0x149: {  	v7 =	vsel vm0, v7, v9;
	(pc) =	sbr.rel .LBB2_11-.Ltmp12, $4  }
0x14a: {  	s3 =	sadd.s32 $0x20, s1;
	vm1 =	vgt.f32 v6, v7  }
0x14b: {  	v61 =	vsel vm0, v11, v10;
	s31 =	sadd.s32 $0x30, s1;
	v62 =	vor.u32 s3, v0;
	v6 =	vsel vm1, v6, v7  }
0x14c: {  	v63 =	vor.u32 s31, v0;
	v9 =	vsel vm1, v62, v61;
	vm15 =	vgt.f32 v8, v6  }
0x14d: {  	v7 =	vsel vm15, v8, v6;
	v6 =	vsel vm15, v63, v9  }
.LBB2_10:
0x14e: {  	v6 =	vimm.s32 $0x0;
	v7 =	vimm.f32 $-3.000000010e+38  }
.LBB2_11:
0x14f: {  	s1 =	ssub.s32 s5, s0  }
0x150: {  	p0 =	slt.s32 s1, $0x1  }
.Ltmp13:
0x151: {  	_ = 	snop;
	(pc) =	sbr.rel @p0 .LBB2_14-.Ltmp13, $1  }
0x152: {  	_ =	sdelay $0x3  }
0x153: {  	s1 =	sshll.u32 s0, $0x6  }
0x154: {  	s1 =	sshra.s32 s1, $0x2  }
0x155: {  	s3 =	sshll.u32 s0, $0x4;
	s1 =	sadd.s32 $0x6400, s1  }
.LBB2_13:
0x156: {  	v8 =	vld [tilespmem:s1+$0x0];
	s0 =	sadd.s32 $0x1, s0  }
0x157: {  	p0 =	slt.s32 s0, s5  }
.Ltmp14:
0x158: {  	_ = 	snop;
	(pc) =	sbr.rel @p0 .LBB2_13-.Ltmp14, $3  }
0x159: {  	_ =	sdelay $0x1  }
0x15a: {  	v9 =	vor.u32 s3, v0;
	vm0 =	vgt.f32 v8, v7  }
0x15b: {  	s1 =	sadd.s32 $0x10, s1;
	s3 =	sadd.s32 $0x10, s3;
	v7 =	vsel vm0, v8, v7;
	v6 =	vsel vm0, v9, v6  }
.LBB2_14:
0x15c: {  	(xrf0) =	vmax.scan.msk.f32 $0xffff, v7;
	_ =	sdelay $0x5  }
0x15d: {  	v8, _, _ =	vpop (xrf0)  }
0x15e: {  	v9 =	vbroadcast v8, $0xF;
	_ =	sdelay $0x1  }
0x15f: {  	v6 =	vxor.u32 $0x80000000, v6;
	vm0 =	veq.f32 v7, v9  }
0x160: {  	v6 =	vnsel vm0, $0xC0000000, v6  }
0x161: {  	(xrf0) =	vmin.scan.msk.u32 $0xffff, v6;
	_ =	sdelay $0x5  }
0x162: {  	(v2sf) =	vpush v8, $0xF;
	v6, _, _ =	vpop (xrf0)  }
0x163: {  	(v2sf) =	vpush v6, $0xF;
	_ =	sdelay $0xc  }
.Ltmp15:
0x164: {  	_ = 	snop;
	(pc) =	sbr.rel .LBB2_15-.Ltmp15, $4  }
0x165: {  	s0 =	spop (v2sf)  }
0x166: {  	p0 =	sgt.f32 s0, $0.0e+00;
	s1 =	spop (v2sf)  }
0x167: {  	s1 =	sxor.u32 $0x80000000, s1  }
0x168: {  	s4 =	simm.s32 $0x0;
	s1 =	simm.s32 @!p0 $0x40000000  }
.LBB2_27:
0x169: {  	(xrf0) =	vmax.scan.msk.f32 $0xffff, v12;
	_ =	sdelay $0x5  }
0x16a: {  	v6, _, _ =	vpop (xrf0)  }
0x16b: {  	v7 =	vbroadcast v6, $0xF;
	_ =	sdelay $0x1  }
0x16c: {  	vm0 =	veq.f32 v12, v7;
	v7 =	vxor.u32 $0x80000000, v11  }
0x16d: {  	v7 =	vnsel vm0, $0xC0000000, v7  }
0x16e: {  	(xrf0) =	vmin.scan.msk.u32 $0xffff, v7;
	_ =	sdelay $0x5  }
0x16f: {  	(v2sf) =	vpush v6, $0xF;
	v6, _, _ =	vpop (xrf0)  }
0x170: {  	(v2sf) =	vpush v6, $0xF;
	_ =	sdelay $0xd  }
0x171: {  	s3 =	spop (v2sf)  }
0x172: {  	p1 =	sgt.f32 s3, $0.0e+00;
	s6 =	spop (v2sf)  }
0x173: {  	s4 =	sadd.s32 $0x1, s4;
	s6 =	sxor.u32 $0x80000000, s6  }
0x174: {  	s6 =	simm.s32 @!p1 $0x40000000;
	p1 =	seq.s32 s4, $0x18  }
.Ltmp16:
0x175: {  	_ = 	snop;
	(pc) =	sbr.rel @p1 .LBB2_21-.Ltmp16, $2  }
0x176: {  	_ =	sdelay $0x2  }
0x177: {  	s0 =	smov.u32 @p0 s3;
	s1 =	smov.u32 @p0 s6  }
.LBB2_15:
0x178: {  	p0 =	slt.s32 s1, s28;
	s3 =	smov.u32 s28  }
0x179: {  	s3 =	smov.u32 @p0 s1  }
0x17a: {  	v10 =	vld [tilespmem:s3+$0xDC00]  }
0x17b: {  	v6 =	vld [tilespmem:s3+$0x6400]  }
0x17c: {  	v7 =	vld [tilespmem:s3+$0x7800]  }
0x17d: {  	v8 =	vld [tilespmem:s3+$0x8C00]  }
0x17e: {  	v9 =	vld [tilespmem:s3+$0xA000]  }
0x17f: {  	v11 =	vimm.s32 $0x0;
	v12 =	vld [tilespmem:s3+$0xB400]  }
0x180: {  	v13 =	vperm.xlane v6, v11  }
0x181: {  	v6 =	vperm.xlane v7, v11  }
0x182: {  	v14 =	vld [tilespmem:s3+$0xC800];
	v7 =	vperm.xlane v8, v11;
	[tilespmem:v10+s2+$0x0] =	vst.idx.msk $0x1, v13  }
0x183: {  	v8 =	vperm.xlane v9, v11;
	[tilespmem:v10+s15+$0x0] =	vst.idx.msk $0x1, v6  }
0x184: {  	p0 =	sgt.f32 s0, $0.0e+00;
	v9 =	vperm.xlane v12, v11;
	[tilespmem:v10+s16+$0x0] =	vst.idx.msk $0x1, v7  }
0x185: {  	s31 =	smov.u32 s5;
	[tilespmem:v10+s17+$0x0] =	vst.idx.msk $0x1, v8  }
0x186: {  	s31 =	simm.s32 @!p0 $0x0;
	[tilespmem:v10+s18+$0x0] =	vst.idx.msk $0x1, v9  }
0x187: {  	s26 =	sshrl.u32 s31, $0x1E;
	v13 =	vld [tilespmem:s3+$0xF000]  }
0x188: {  	s3 =	sadd.s32 s26, s31  }
0x189: {  	s6 =	sand.u32 $0xFFFFFFFC, s3  }
0x18a: {  	p1 =	slt.s32 s6, $0x1  }
.Ltmp17:
0x18b: {  	_ = 	snop;
	(pc) =	sbr.rel @p1 .LBB2_24-.Ltmp17, $3  }
0x18c: {  	_ =	sdelay $0x1  }
0x18d: {  	v12 =	vimm.f32 $-3.000000010e+38  }
0x18e: {  	v10 =	vperm.xlane v14, v11;
	[tilespmem:v13+s19+$0x0] =	vst.idx.msk $0x1, v12  }
0x18f: {  	s9 =	simm.s32 $0x0  }
0x190: {  	v13 =	vld [tilespmem:s9+$0xC820]  }
0x191: {  	v14 =	vld [tilespmem:s9+$0xC810]  }
0x192: {  	v15 =	vld [tilespmem:s9+$0x7830]  }
0x193: {  	v16 =	vld [tilespmem:s9+$0x8C30]  }
0x194: {  	v17 =	vld [tilespmem:s9+$0xA030]  }
0x195: {  	v18 =	vld [tilespmem:s9+$0xB430]  }
0x196: {  	v19 =	vld [tilespmem:s9+$0xC800]  }
0x197: {  	v20 =	vld [tilespmem:s9+$0x7820]  }
0x198: {  	v21 =	vld [tilespmem:s9+$0x8C20]  }
0x199: {  	v22 =	vld [tilespmem:s9+$0xA020]  }
0x19a: {  	v23 =	vld [tilespmem:s9+$0xB420]  }
0x19b: {  	v24 =	vld [tilespmem:s9+$0x7810]  }
0x19c: {  	v25 =	vld [tilespmem:s9+$0x8C10]  }
0x19d: {  	v26 =	vld [tilespmem:s9+$0xA010]  }
0x19e: {  	v27 =	vld [tilespmem:s9+$0x7800]  }
0x19f: {  	v12 =	vimm.f32 $-3.000000010e+38;
	v11 =	vimm.s32 $0x0;
	v28 =	vld [tilespmem:s9+$0x8C00];
	v14 =	vadd.f32 v14, v10  }
0x1a0: {  	v29 =	vld [tilespmem:s9+$0xB410];
	v13 =	vadd.f32 v13, v10;
	v15 =	vmax.f32 v6, v15;
	v16 =	vmax.f32 v7, v16  }
0x1a1: {  	v31 =	vld [tilespmem:s9+$0xA000];
	v17 =	vmin.f32 v8, v17;
	v32 =	vmin.f32 v9, v18;
	v18 =	vadd.f32 v19, v10  }
0x1a2: {  	p2 =	sgt.s32 s6, $0x4;
	v19 =	vld [tilespmem:s9+$0xB400];
	v33 =	vmax.f32 v6, v20;
	v20 =	vmax.f32 v7, v21;
	v21 =	vmin.f32 v8, v22  }
.Ltmp18:
0x1a3: {  	v22 =	vmin.f32 v9, v23;
	v23 =	vmax.f32 v6, v24;
	v34 =	vmax.f32 v7, v25;
	(pc) =	sbr.rel @!p2 .LBB2_17-.Ltmp18, $4  }
0x1a4: {  	v26 =	vmin.f32 v8, v26;
	v35 =	vmax.f32 v6, v27;
	v30 =	vmax.f32 v7, v28  }
0x1a5: {  	v28 =	vmin.f32 v9, v29;
	v24 =	vsub.f32 v17, v15;
	v27 =	vsub.f32 v21, v33  }
0x1a6: {  	v15 =	vmin.f32 v8, v31;
	v25 =	vsub.f32 v32, v16;
	v29 =	vsub.f32 v26, v23  }
0x1a7: {  	s8 =	simm.s32 $0x0;
	p1 =	por $0x0, $0x0;
	v31 =	vsub.f32 v28, v34;
	v36 =	vsub.f32 v15, v35;
	v33 =	vmin.f32 v9, v19  }
0x1a8: {  	s10 =	simm.s32 $0x40;
	v15 =	vld [tilespmem:s9+$0xC830]  }
0x1a9: {  	v23 =	vld [tilespmem:s10+$0xC820]  }
0x1aa: {  	v26 =	vld [tilespmem:s10+$0xC810]  }
0x1ab: {  	v28 =	vld [tilespmem:s10+$0x7830]  }
0x1ac: {  	v16 =	vsub.f32 v33, v30;
	v32 =	vld [tilespmem:s10+$0x8C30]  }
0x1ad: {  	v30 =	vld [tilespmem:s10+$0xA030]  }
0x1ae: {  	v19 =	vsub.f32 v22, v20;
	v58 =	vld [tilespmem:s10+$0xB430];
	v17 =	vmax.f32 v36, $0.0e+00;
	v16 =	vmax.f32 v16, $0.0e+00  }
0x1af: {  	v34 =	vld [tilespmem:s10+$0xC800];
	v35 =	vmul.f32 v16, v17  }
0x1b0: {  	v59 =	vld [tilespmem:s10+$0x7820];
	v19 =	vmax.f32 v19, $0.0e+00;
	v16 =	vmax.f32 v29, $0.0e+00;
	v17 =	vmax.f32 v31, $0.0e+00  }
0x1b1: {  	v20 =	vld [tilespmem:s10+$0x8C20];
	v31 =	vmul.f32 v17, v16;
	v17 =	vmax.f32 v27, $0.0e+00;
	v18 =	vsub.f32 v18, v35  }
0x1b2: {  	v21 =	vmax.f32 v25, $0.0e+00;
	v22 =	vld [tilespmem:s10+$0xA020];
	v16 =	vmax.f32 v24, $0.0e+00;
	v19 =	vmul.f32 v19, v17  }
0x1b3: {  	s3 =	simm.s32 $0x20;
	v25 =	vld [tilespmem:s10+$0x7810];
	v17 =	vmul.f32 v21, v16;
	v14 =	vsub.f32 v14, v31;
	v18 =	vadd.f32 $9.999999930e-09, v18  }
0x1b4: {  	v39 =	vld [tilespmem:s10+$0x7800];
	v27 =	vadd.f32 v15, v10;
	v21 =	vor.u32 s8, v0;
	v16 =	vor.u32 s3, v0  }
0x1b5: {  	s7 =	simm.s32 $0x30;
	v40 =	vld [tilespmem:s10+$0xA000];
	v13 =	vsub.f32 v13, v19;
	v14 =	vadd.f32 $9.999999930e-09, v14;
	(erf) = vrcp.f32 v18  }
0x1b6: {  	v60 =	vld [tilespmem:s10+$0xB400];
	v15 =	vor.u32 s7, v0;
	v28 =	vmax.f32 v6, v28;
	v32 =	vmax.f32 v7, v32  }
0x1b7: {  	v29 =	vld [tilespmem:s10+$0x8C10];
	v27 =	vsub.f32 v27, v17;
	v18 =	vadd.f32 $9.999999930e-09, v13;
	(erf) = vrcp.f32 v14  }
0x1b8: {  	v37 =	vld [tilespmem:s10+$0xA010];
	v41 =	vmin.f32 v8, v30;
	v42 =	vmin.f32 v9, v58;
	v61 =	vmax.f32 v6, v59  }
0x1b9: {  	v24 =	vld [tilespmem:s10+$0xB420];
	v20 =	vmax.f32 v7, v20;
	v27 =	vadd.f32 $9.999999930e-09, v27;
	(erf) = vrcp.f32 v18  }
0x1ba: {  	v38 =	vld [tilespmem:s10+$0xB410];
	v62 =	vmax.f32 v6, v25;
	v39 =	vmax.f32 v6, v39;
	v40 =	vmin.f32 v8, v40  }
0x1bb: {  	v33 =	vmin.f32 v9, v60;
	v14 =	vadd.f32 v26, v10;
	v26 =	vld [tilespmem:s10+$0x8C00];
	(erf) = vrcp.f32 v27  }
0x1bc: {  	s26 =	simm.s32 $0x10;
	v25 =	vsub.f32 v42, v32;
	v36 =	vsub.f32 v40, v39;
	v43 =	vmax.f32 v7, v29  }
0x1bd: {  	v44 =	vld [tilespmem:s9+$0x6400];
	p2 =	sgt.s32 s6, $0x8;
	v29 =	vmin.f32 v8, v37;
	v13 =	vadd.f32 v23, v10;
	v23 =	vor.u32 s26, v0  }
.Ltmp19:
0x1be: {  	v29 =	vsub.f32 v29, v62;
	v27 =	vmin.f32 v8, v22;
	v22 =	vmin.f32 v9, v24;
	v24 =	vpop (erf);
	(pc) =	sbr.rel @!p2 .LBB2_29-.Ltmp19, $4  }
0x1bf: {  	v18 =	vadd.f32 v34, v10;
	v27 =	vsub.f32 v27, v61;
	v63 =	vmul.f32 v24, v35;
	v35 =	vld [tilespmem:s9+$0x6410]  }
0x1c0: {  	v30 =	vmax.f32 v7, v26;
	v26 =	vmin.f32 v9, v38;
	v24 =	vsub.f32 v41, v28;
	v28 =	vpop (erf)  }
0x1c1: {  	s12 =	simm.s32 $0x8;
	v37 =	vld [tilespmem:s9+$0x6420];
	v38 =	vmul.f32 v28, v31;
	v31 =	vsub.f32 v26, v43;
	vm0 =	vgt.f32 v63, $3.000000120e-01  }
0x1c2: {  	s13 =	simm.s32 $0x200;
	p1 =	por $0x1, $0x1;
	s11 =	simm.s32 $0x0;
	v34 =	vld [tilespmem:s9+$0x6430];
	v39 =	vpop (erf);
	v28 =	vimm.f32 $-3.000000010e+38;
	v26 =	vimm.s32 $0x0;
	v32 =	vsel vm0, $0xFF61B1E6, v44  }
.LBB2_30:
0x1c3: {  	s3 =	sshra.s32 s13, $0x2;
	v40 =	vld [tilespmem:s10+$0xC830];
	[tilespmem:s9+$0x6400] =	vst v32;
	vm0 =	vgt.f32 v32, v28;
	vm1 =	vgt.f32 v38, $3.000000120e-01;
	v19 =	vmul.f32 v39, v19  }
0x1c4: {  	v38 =	vld [tilespmem:s3+$0xC820];
	v28 =	vsel vm0, v32, v28;
	v21 =	vsel vm0, v21, v26;
	v26 =	vsel vm1, $0xFF61B1E6, v35;
	v32 =	vpop (erf)  }
0x1c5: {  	v35 =	vld [tilespmem:s3+$0xC810];
	[tilespmem:s9+$0x6410] =	vst v26;
	vm0 =	vgt.f32 v26, v28;
	vm1 =	vgt.f32 v19, $3.000000120e-01;
	v17 =	vmul.f32 v32, v17  }
0x1c6: {  	v32 =	vld [tilespmem:s3+$0x7830];
	v19 =	vsel vm0, v26, v28;
	v21 =	vsel vm0, v23, v21;
	v23 =	vsel vm1, $0xFF61B1E6, v37  }
0x1c7: {  	v26 =	vsub.f32 v33, v30;
	v37 =	vld [tilespmem:s3+$0x8C30];
	[tilespmem:s9+$0x6420] =	vst v23;
	vm0 =	vgt.f32 v23, v19;
	vm1 =	vgt.f32 v17, $3.000000120e-01  }
0x1c8: {  	v30 =	vld [tilespmem:s3+$0xA030];
	v17 =	vsel vm0, v23, v19;
	v16 =	vsel vm0, v16, v21;
	v19 =	vsel vm1, $0xFF61B1E6, v34  }
0x1c9: {  	v21 =	vmax.f32 v36, $0.0e+00;
	v23 =	vmax.f32 v26, $0.0e+00;
	v33 =	vld [tilespmem:s3+$0xB430];
	[tilespmem:s9+$0x6430] =	vst v19;
	vm0 =	vgt.f32 v19, v17;
	s9 =	smov.u32 s10;
	s10 =	smov.u32 s3  }
0x1ca: {  	v36 =	vmul.f32 v23, v21;
	v34 =	vld [tilespmem:s10+$0xC800];
	v28 =	vsel vm0, v19, v17;
	v26 =	vsel vm0, v15, v16  }
0x1cb: {  	v15 =	vmax.f32 v29, $0.0e+00;
	v16 =	vmax.f32 v31, $0.0e+00;
	v17 =	vsub.f32 v22, v20;
	v39 =	vld [tilespmem:s10+$0x7820]  }
0x1cc: {  	v18 =	vsub.f32 v18, v36;
	v31 =	vmul.f32 v16, v15;
	v15 =	vmax.f32 v24, $0.0e+00;
	v20 =	vld [tilespmem:s10+$0x8C20]  }
0x1cd: {  	v21 =	vmax.f32 v25, $0.0e+00;
	v16 =	vmax.f32 v27, $0.0e+00;
	v17 =	vmax.f32 v17, $0.0e+00;
	v22 =	vld [tilespmem:s10+$0xA020]  }
0x1ce: {  	v18 =	vadd.f32 $9.999999930e-09, v18;
	v14 =	vsub.f32 v14, v31;
	v19 =	vmul.f32 v17, v16;
	v24 =	vld [tilespmem:s10+$0xB420]  }
0x1cf: {  	s11 =	sadd.s32 $0x40, s11;
	v23 =	vadd.f32 v40, v10;
	v17 =	vmul.f32 v21, v15;
	v25 =	vld [tilespmem:s10+$0x7810]  }
0x1d0: {  	s7 =	sadd.s32 $0x30, s11;
	s3 =	sadd.s32 $0x20, s11;
	v14 =	vadd.f32 $9.999999930e-09, v14;
	v13 =	vsub.f32 v13, v19;
	v27 =	vld [tilespmem:s10+$0x8C10];
	(erf) = vrcp.f32 v18  }
0x1d1: {  	v21 =	vor.u32 s11, v0;
	v16 =	vor.u32 s3, v0;
	v15 =	vor.u32 s7, v0;
	v29 =	vld [tilespmem:s10+$0xA010]  }
0x1d2: {  	s3 =	sadd.s32 $0x10, s11;
	v41 =	vsub.f32 v23, v17;
	v18 =	vadd.f32 $9.999999930e-09, v13;
	v40 =	vld [tilespmem:s10+$0xB410];
	(erf) = vrcp.f32 v14  }
0x1d3: {  	v23 =	vor.u32 s3, v0;
	v13 =	vadd.f32 v38, v10;
	v14 =	vadd.f32 v35, v10;
	v42 =	vld [tilespmem:s10+$0x7800]  }
0x1d4: {  	v32 =	vmax.f32 v6, v32;
	v38 =	vadd.f32 $9.999999930e-09, v41;
	v35 =	vld [tilespmem:s10+$0x8C00];
	(erf) = vrcp.f32 v18  }
0x1d5: {  	v37 =	vmax.f32 v7, v37;
	v43 =	vmin.f32 v8, v30;
	v44 =	vmin.f32 v9, v33;
	v41 =	vld [tilespmem:s10+$0xA000]  }
0x1d6: {  	v18 =	vadd.f32 v34, v10;
	v34 =	vmax.f32 v6, v39;
	v33 =	vld [tilespmem:s10+$0xB400];
	(erf) = vrcp.f32 v38  }
0x1d7: {  	s12 =	sadd.s32 $0x4, s12;
	v20 =	vmax.f32 v7, v20;
	v38 =	vmin.f32 v8, v22;
	v22 =	vmin.f32 v9, v24  }
0x1d8: {  	p2 =	slt.s32 s12, s6;
	v39 =	vmax.f32 v6, v25;
	v45 =	vmax.f32 v7, v27;
	v29 =	vmin.f32 v8, v29;
	v46 =	vld [tilespmem:s9+$0x6400]  }
.Ltmp20:
0x1d9: {  	v40 =	vmin.f32 v9, v40;
	v42 =	vmax.f32 v6, v42;
	v30 =	vmax.f32 v7, v35;
	v25 =	vpop (erf);
	(pc) =	sbr.rel @p2 .LBB2_30-.Ltmp20, $4  }
0x1da: {  	v24 =	vsub.f32 v43, v32;
	v41 =	vmin.f32 v8, v41;
	v32 =	vmul.f32 v25, v36;
	v35 =	vld [tilespmem:s9+$0x6410]  }
0x1db: {  	v27 =	vsub.f32 v38, v34;
	v25 =	vsub.f32 v44, v37;
	v33 =	vmin.f32 v9, v33;
	v34 =	vpop (erf)  }
0x1dc: {  	v29 =	vsub.f32 v29, v39;
	vm0 =	vgt.f32 v32, $3.000000120e-01;
	v38 =	vmul.f32 v34, v31;
	v37 =	vld [tilespmem:s9+$0x6420]  }
0x1dd: {  	s13 =	sadd.s32 $0x100, s13;
	v36 =	vsub.f32 v41, v42;
	v31 =	vsub.f32 v40, v45;
	v32 =	vsel vm0, $0xFF61B1E6, v46;
	v34 =	vld [tilespmem:s9+$0x6430];
	v39 =	vpop (erf)  }
.LBB2_31:
0x1de: {  	v30 =	vsub.f32 v33, v30;
	_ =	sdelay $0x1  }
0x1df: {  	v50 =	vmax.f32 v36, $0.0e+00;
	v30 =	vmax.f32 v30, $0.0e+00  }
0x1e0: {  	v51 =	vld [tilespmem:s10+$0xC830];
	v20 =	vsub.f32 v22, v20;
	v30 =	vmul.f32 v30, v50  }
0x1e1: {  	v29 =	vmax.f32 v29, $0.0e+00;
	v27 =	vmax.f32 v27, $0.0e+00;
	v31 =	vmax.f32 v31, $0.0e+00  }
0x1e2: {  	v52 =	vmul.f32 v31, v29;
	v20 =	vmax.f32 v20, $0.0e+00;
	v18 =	vsub.f32 v18, v30  }
0x1e3: {  	v24 =	vmax.f32 v24, $0.0e+00;
	v20 =	vmul.f32 v20, v27  }
0x1e4: {  	v25 =	vmax.f32 v25, $0.0e+00;
	v14 =	vsub.f32 v14, v52;
	v18 =	vadd.f32 $9.999999930e-09, v18  }
0x1e5: {  	v24 =	vmul.f32 v25, v24;
	v53 =	vadd.f32 v51, v10;
	v13 =	vsub.f32 v13, v20  }
0x1e6: {  	v14 =	vadd.f32 $9.999999930e-09, v14;
	(erf) = vrcp.f32 v18  }
0x1e7: {  	v13 =	vadd.f32 $9.999999930e-09, v13;
	v54 =	vsub.f32 v53, v24  }
0x1e8: {  	vm1 =	vgt.f32 @p1 v38, $3.000000120e-01;
	(erf) = vrcp.f32 v14  }
0x1e9: {  	vm0 =	vgt.f32 @p1 v32, v28;
	v25 =	vsel @p1 vm1, $0xFF61B1E6, v35;
	v18 =	vadd.f32 $9.999999930e-09, v54  }
0x1ea: {  	v14 =	vmul.f32 @p1 v39, v19;
	v19 =	vsel @p1 vm0, v32, v28;
	(erf) = vrcp.f32 v13  }
0x1eb: {  	v13 =	vpop @p1 (erf);
	vm1 =	vgt.f32 @p1 v25, v19  }
0x1ec: {  	vm2 =	vgt.f32 @p1 v14, $3.000000120e-01;
	v13 =	vmul.f32 @p1 v13, v17;
	(erf) = vrcp.f32 v18  }
0x1ed: {  	v14 =	vsel @p1 vm1, v25, v19;
	v17 =	vsel @p1 vm2, $0xFF61B1E6, v37  }
0x1ee: {  	v18 =	vsel @p1 vm0, v21, v26;
	vm0 =	vgt.f32 @p1 v17, v14;
	vm2 =	vgt.f32 @p1 v13, $3.000000120e-01;
	v13 =	vld [tilespmem:s10+$0x6400]  }
0x1ef: {  	s3 =	sadd.s32 @p1 $0x40, s11;
	v18 =	vsel @p1 vm1, v23, v18;
	v14 =	vsel @p1 vm0, v17, v14;
	v19 =	vsel @p1 vm2, $0xFF61B1E6, v34;
	v55 =	vpop (erf)  }
0x1f0: {  	v57 =	vld [tilespmem:s10+$0x6410];
	s8 =	smov.u32 @p1 s3;
	v16 =	vsel @p1 vm0, v16, v18;
	vm0 =	vgt.f32 @p1 v19, v14;
	v56 =	vmul.f32 v55, v30  }
0x1f1: {  	v59 =	vor.u32 s8, v0;
	v14 =	vsel @p1 vm0, v19, v14;
	v58 =	vpop (erf)  }
0x1f2: {  	v60 =	vld [tilespmem:s10+$0x6420];
	v15 =	vsel @p1 vm0, v15, v16;
	v16 =	vmul.f32 v58, v52;
	vm9 =	vgt.f32 v56, $3.000000120e-01  }
0x1f3: {  	v12 =	vpsel p1, v14, v12;
	v11 =	vpsel p1, v15, v11;
	v61 =	vpop (erf);
	v13 =	vsel vm9, $0xFF61B1E6, v13  }
0x1f4: {  	[tilespmem:s9+$0x6400] =	vst @p1 v32;
	s3 =	sadd.s32 $0x10, s8;
	v14 =	vld [tilespmem:s10+$0x6430];
	v15 =	vmul.f32 v61, v20;
	vm10 =	vgt.f32 v16, $3.000000120e-01;
	vm0 =	vgt.f32 v13, v12  }
0x1f5: {  	[tilespmem:s9+$0x6410] =	vst @p1 v25;
	v63 =	vor.u32 s3, v0;
	v62 =	vpop (erf);
	v16 =	vsel vm10, $0xFF61B1E6, v57;
	v12 =	vsel vm0, v13, v12  }
0x1f6: {  	[tilespmem:s9+$0x6420] =	vst @p1 v17;
	vm12 =	vgt.f32 v15, $3.000000120e-01;
	v15 =	vmul.f32 v62, v24;
	vm11 =	vgt.f32 v16, v12  }
0x1f7: {  	s26 =	sadd.s32 $0x20, s8;
	[tilespmem:s9+$0x6430] =	vst @p1 v19;
	v11 =	vsel vm0, v59, v11;
	v18 =	vsel vm12, $0xFF61B1E6, v60;
	v12 =	vsel vm11, v16, v12  }
0x1f8: {  	[tilespmem:s10+$0x6400] =	vst v13;
	v13 =	vor.u32 s26, v0;
	vm14 =	vgt.f32 v15, $3.000000120e-01;
	vm13 =	vgt.f32 v18, v12  }
0x1f9: {  	s7 =	sadd.s32 $0x30, s8;
	[tilespmem:s10+$0x6410] =	vst v16;
	v11 =	vsel vm11, v63, v11;
	v14 =	vsel vm14, $0xFF61B1E6, v14;
	v12 =	vsel vm13, v18, v12  }
0x1fa: {  	v15 =	vor.u32 s7, v0;
	[tilespmem:s10+$0x6420] =	vst v18;
	v11 =	vsel vm13, v13, v11;
	vm15 =	vgt.f32 v14, v12  }
0x1fb: {  	[tilespmem:s10+$0x6430] =	vst v14;
	v12 =	vsel vm15, v14, v12;
	v11 =	vsel vm15, v15, v11  }
.LBB2_24:
0x1fc: {  	s10 =	ssub.s32 s31, s6  }
0x1fd: {  	p1 =	slt.s32 s10, $0x1  }
.Ltmp21:
0x1fe: {  	_ = 	snop;
	(pc) =	sbr.rel @p1 .LBB2_27-.Ltmp21, $1  }
0x1ff: {  	_ =	sdelay $0x3  }
0x200: {  	s12 =	sshll.u32 s31, $0x6  }
0x201: {  	s14 =	sshra.s32 s12, $0x2  }
0x202: {  	s3 =	sshll.u32 s10, $0x6;
	v13 =	vmov s14  }
0x203: {  	s13 =	sshll.u32 s31, $0x4;
	s26 =	sshll.u32 s10, $0x4;
	s3 =	ssub.s32 $0x0, s3  }
0x204: {  	s12 =	ssub.s32 s13, s26;
	s11 =	sshra.s32 s3, $0x2  }
0x205: {  	s3 =	sadd.s32 $0x6400, s11;
	s7 =	sadd.s32 $0x7800, s11;
	s8 =	sadd.s32 $0x8C00, s11  }
0x206: {  	s9 =	sadd.s32 $0xA000, s11;
	s10 =	sadd.s32 $0xB400, s11;
	s11 =	sadd.s32 $0xC800, s11  }
.LBB2_26:
0x207: {  	v14 =	vld.idx.msk [tilespmem:v13+s7+$0x0 ss:$0x1], $0xffff  }
0x208: {  	v15 =	vld.idx.msk [tilespmem:v13+s8+$0x0 ss:$0x1], $0xffff  }
0x209: {  	v16 =	vld.idx.msk [tilespmem:v13+s9+$0x0 ss:$0x1], $0xffff  }
0x20a: {  	v17 =	vld.idx.msk [tilespmem:v13+s10+$0x0 ss:$0x1], $0xffff;
	_ =	sdelay $0x3  }
0x20b: {  	v18 =	vld.idx.msk [tilespmem:v13+s11+$0x0 ss:$0x1], $0xffff;
	v14 =	vmax.f32 v6, v14  }
0x20c: {  	v15 =	vmax.f32 v7, v15;
	v16 =	vmin.f32 v8, v16;
	v17 =	vmin.f32 v9, v17  }
0x20d: {  	v14 =	vsub.f32 v16, v14;
	v15 =	vsub.f32 v17, v15;
	_ =	sdelay $0x1  }
0x20e: {  	v14 =	vmax.f32 v14, $0.0e+00;
	v15 =	vmax.f32 v15, $0.0e+00  }
0x20f: {  	v14 =	vmul.f32 v15, v14;
	v15 =	vadd.f32 v18, v10;
	_ =	sdelay $0x1  }
0x210: {  	v15 =	vsub.f32 v15, v14;
	_ =	sdelay $0x1  }
0x211: {  	v15 =	vadd.f32 $9.999999930e-09, v15;
	_ =	sdelay $0x1  }
0x212: {  	(erf) = vrcp.f32 v15;
	_ =	sdelay $0x7  }
0x213: {  	v15 =	vld.idx.msk [tilespmem:v13+s3+$0x0 ss:$0x1], $0xffff  }
0x214: {  	s6 =	sadd.s32 $0x1, s6;
	v63 =	vpop (erf)  }
0x215: {  	p1 =	slt.s32 s6, s31;
	v14 =	vmul.f32 v63, v14  }
.Ltmp22:
0x216: {  	_ = 	snop;
	(pc) =	sbr.rel @p1 .LBB2_26-.Ltmp22, $4  }
0x217: {  	vm0 =	vgt.f32 v14, $3.000000120e-01  }
0x218: {  	s7 =	sadd.s32 $0x10, s7;
	v14 =	vsel vm0, $0xFF61B1E6, v15  }
0x219: {  	s8 =	sadd.s32 $0x10, s8;
	s9 =	sadd.s32 $0x10, s9;
	s10 =	sadd.s32 $0x10, s10;
	v15 =	vor.u32 s12, v0;
	vm0 =	vgt.f32 v14, v12  }
0x21a: {  	s11 =	sadd.s32 $0x10, s11;
	s12 =	sadd.s32 $0x10, s12;
	[tilespmem:v13+s3+$0x0 ss:$0x1] =	vst.idx.msk $0xffff, v14;
	s3 =	sadd.s32 $0x10, s3;
	v12 =	vsel vm0, v14, v12;
	v11 =	vsel vm0, v15, v11  }
.Ltmp23:
0x21b: {  	_ = 	snop;
	(pc) =	sbr.rel .LBB2_27-.Ltmp23, $1  }
0x21c: {  	_ =	sdelay $0x3  }
.LBB2_17:
.Ltmp24:
0x21d: {  	(pc) =	sbr.rel .LBB2_31-.Ltmp24, $2  }
0x21e: {  	_ =	sdelay $0x2  }
0x21f: {  	s10 =	simm.s32 $0x0;
	v28 =	vimm.f32 $-3.000000010e+38;
	v26 =	vimm.s32 $0x0;
	s11 =	simm.s32 $0x0  }
.LBB2_29:
.Ltmp25:
0x220: {  	(pc) =	sbr.rel .LBB2_31-.Ltmp25, $2  }
0x221: {  	_ =	sdelay $0x2  }
0x222: {  	v28 =	vimm.f32 $-3.000000010e+38;
	v26 =	vimm.s32 $0x0;
	s11 =	simm.s32 $0x0  }
.LBB2_21:
0x223: {  	p0 =	sgt.s32 s5, $0x0  }
.Ltmp26:
0x224: {  	_ = 	snop;
	(pc) =	sbr.rel @!p0 .LBB2_36-.Ltmp26, $2  }
0x225: {  	_ =	sdelay $0x2  }
0x226: {  	s28 =	simm.s32 $0x0  }
0x227: {  	s3 =	simm.s32 $0x6400;
	p1 =	sne.s32 s5, $0x1  }
.Ltmp27:
0x228: {  	v6 =	vld [tilespmem:s3+$0x0];
	(pc) =	sbr.rel @!p1 .LBB2_23-.Ltmp27, $4  }
0x229: {  	_ = 	snop  }
0x22a: {  	s6 =	simm.s32 $0x7800;
	s4 =	simm.s32 $0x8C00  }
0x22b: {  	s1 =	simm.s32 $0xA000;
	s0 =	simm.s32 $0xB400;
	s8 =	simm.s32 $0xC800  }
0x22c: {  	s9 =	simm.s32 $0xDC00;
	s5 =	sadd.s32 $0xFFFFFFFF, s5;
	p0 =	por $0x0, $0x0  }
0x22d: {  	vm0 =	vgt.f32 v6, $0.0e+00  }
0x22e: {  	v7 =	vsel vm0, $0x1, v1  }
0x22f: {  	(xrf0) =	vadd.scan.msk.s32 $0xffff, v7;
	_ =	sdelay $0x2  }
0x230: {  	v7 =	vmov s28  }
0x231: {  	v7 =	vadd.s32 $0xFFFFFFFF, v7  }
0x232: {  	v7 =	vbroadcast v7, $0x0  }
0x233: {  	v9, _, _ =	vpop (xrf0)  }
0x234: {  	v8 =	vld [tilespmem:s9+$0x0];
	v7 =	vadd.s32 v9, v7  }
0x235: {  	v11 =	vld [tilespmem:s6+$0x0]  }
0x236: {  	v12 =	vld [tilespmem:s4+$0x0]  }
0x237: {  	v13 =	vld [tilespmem:s1+$0x0]  }
0x238: {  	v14 =	vld [tilespmem:s0+$0x0];
	(v2sf) =	vpush v9, $0xF  }
0x239: {  	v10 =	vld [tilespmem:s8+$0x0];
	[tilespmem:v7+s19+$0x0] =	vst.idx.msk vm0, v6  }
0x23a: {  	[tilespmem:v7+s20+$0x0] =	vst.idx.msk vm0, v11  }
0x23b: {  	[tilespmem:v7+s21+$0x0] =	vst.idx.msk vm0, v12  }
0x23c: {  	[tilespmem:v7+s22+$0x0] =	vst.idx.msk vm0, v13  }
0x23d: {  	[tilespmem:v7+s23+$0x0] =	vst.idx.msk vm0, v14  }
0x23e: {  	[tilespmem:v7+s24+$0x0] =	vst.idx.msk vm0, v10  }
0x23f: {  	p1 =	sne.s32 s5, $0x1;
	s3 =	simm.s32 $0x6410;
	[tilespmem:v7+s25+$0x0] =	vst.idx.msk vm0, v8  }
.Ltmp28:
0x240: {  	v6 =	vld [tilespmem:s3+$0x0];
	(pc) =	sbr.rel @!p1 .LBB2_33-.Ltmp28, $4  }
0x241: {  	_ = 	snop  }
0x242: {  	s7 =	sadd.s32 $0xFFFFFFFF, s5;
	s9 =	simm.s32 $0xDC10;
	p0 =	por $0x1, $0x1  }
0x243: {  	s11 =	simm.s32 $0xC800;
	s5 =	simm.s32 $0xB400;
	s10 =	simm.s32 $0xA000  }
0x244: {  	s31 =	simm.s32 $0x0;
	s12 =	simm.s32 $0x8C00;
	s13 =	simm.s32 $0x7800  }
.LBB2_34:
0x245: {  	p1 =	sne.s32 s7, $0x1;
	v7 =	vld [tilespmem:s9+$0x0];
	s11 =	sadd.s32 $0x10, s11  }
0x246: {  	s5 =	sadd.s32 $0x10, s5;
	v8 =	vld [tilespmem:s11+$0x0]  }
0x247: {  	s10 =	sadd.s32 $0x10, s10;
	v9 =	vld [tilespmem:s5+$0x0];
	s14 =	spop (v2sf)  }
0x248: {  	s12 =	sadd.s32 $0x10, s12;
	v10 =	vld [tilespmem:s10+$0x0];
	s31 =	sadd.s32 s31, s14  }
0x249: {  	vm0 =	vgt.f32 v6, $0.0e+00;
	s13 =	sadd.s32 $0x10, s13;
	v11 =	vld [tilespmem:s12+$0x0];
	v12 =	vmov s31  }
0x24a: {  	v14 =	vsel vm0, $0x1, v1;
	v13 =	vld [tilespmem:s13+$0x0];
	v12 =	vadd.s32 $0xFFFFFFFF, v12  }
0x24b: {  	v12 =	vbroadcast v12, $0x0;
	(xrf0) =	vadd.scan.msk.s32 $0xffff, v14;
	_ =	sdelay $0x5  }
0x24c: {  	v14, _, _ =	vpop (xrf0)  }
0x24d: {  	v12 =	vadd.s32 v14, v12;
	(v2sf) =	vpush v14, $0xF;
	_ =	sdelay $0x4  }
0x24e: {  	[tilespmem:v12+s19+$0x0] =	vst.idx.msk vm0, v6  }
0x24f: {  	[tilespmem:v12+s20+$0x0] =	vst.idx.msk vm0, v13  }
0x250: {  	[tilespmem:v12+s21+$0x0] =	vst.idx.msk vm0, v11  }
.Ltmp29:
0x251: {  	[tilespmem:v12+s22+$0x0] =	vst.idx.msk vm0, v10;
	(pc) =	sbr.rel @p1 .LBB2_34-.Ltmp29, $4  }
0x252: {  	[tilespmem:v12+s23+$0x0] =	vst.idx.msk vm0, v9  }
0x253: {  	[tilespmem:v12+s24+$0x0] =	vst.idx.msk vm0, v8  }
0x254: {  	s3 =	sadd.s32 $0x10, s3;
	[tilespmem:v12+s25+$0x0] =	vst.idx.msk vm0, v7  }
0x255: {  	s7 =	sadd.s32 $0xFFFFFFFF, s7;
	s9 =	sadd.s32 $0x10, s9;
	v6 =	vld [tilespmem:s3+$0x0]  }
.Ltmp30:
0x256: {  	_ = 	snop;
	(pc) =	sbr.rel .LBB2_35-.Ltmp30, $1  }
0x257: {  	_ =	sdelay $0x3  }
.LBB2_33:
.Ltmp31:
0x258: {  	(pc) =	sbr.rel .LBB2_35-.Ltmp31, $3  }
0x259: {  	_ =	sdelay $0x1  }
0x25a: {  	s11 =	simm.s32 $0xC800;
	s5 =	simm.s32 $0xB400;
	s10 =	simm.s32 $0xA000  }
0x25b: {  	s31 =	simm.s32 $0x0;
	s12 =	simm.s32 $0x8C00;
	s13 =	simm.s32 $0x7800  }
.LBB2_38:
0x25c: {  	_ =	sfence.sel $0x180000  }
0x25d: {  	[bflag:$0x0] =	sbarrier.arrive $0xFFFF  }
0x25e: {  	_ =	strace $0x90000047  }
0x25f: {  	s0 =	stileid.u32;
	[bflag:$0x2] =	sbarrier.arrive $0xFFFF  }
0x260: {  	p0 =	sne.s32 s0, $0x0;
	s0 =	rddreg [dreg:$0x2]  }
0x261: {  	s0 =	sadd.s32 @!p0 $0x100000, s0  }
0x262: {  	[sflag:s0] =	ssyncadd.tile.s32 @!p0 $0x1;
	_ =	shalt  }
.Lfunc_end2:
_tile_overlayer_lowered:
.L_overlay_start_2:
0x263: {  	(tag) =	ssettag $0x2  }
0x264: {  	s0 =	rddreg [dreg:$0x0];
	s2 =	stileid.u32  }
0x265: {  	s1 =	rddreg [dreg:$0x1];
	p0 =	sne.s32 s2, $0x0  }
0x266: {  	s3 =	rddreg [dreg:$0x2];
	[bflag:$0x3] =	sbarrier.arrive $0xFFFF;
	s2 =	simm.s32 @!p0 $0x1C01  }
0x267: {  	[timem:s3], [sflag:s2] =	dma.local @!p0 [hbm:s0], s1  }
0x268: {  	s0 =	simm.s32 @!p0 $0x1  }
0x269: {  	_ =	swait.ge @!p0 [sflag:s0], s1  }
0x26a: {  	s1 =	ssub.s32 @!p0 $0x0, s1;
	[sflag:s0] =	ssyncset.done @!p0 $0x0  }
0x26b: {  	[sflag:s0] =	ssyncadd.s32 @!p0 s1  }
0x26c: {  	[bflag:$0x3] =	sbarrier.arrive $0xFFFF  }
0x26d: {  	_ =	shalt  }

</sc_bundles>
